<compile_context>
chip_gen: v7x
topology: tpu7x:2x2x1
jax: 0.10.2.dev20260603
libtpu: 0.0.44.dev20260713+nightly
codegen_flags: <defaults>
</compile_context>

<pallas_src>
import functools

import jax
import jax.numpy as jnp
import numpy as np
from jax.experimental import pallas as pl

_PRE_NMS_THRESH = 0.05
_PRE_NMS_TOP_N = 1000
_NMS_THRESH = 0.5
_POST_TOP_N = 100
_WX, _WY, _WW, _WH = 10.0, 10.0, 5.0, 5.0
_CLIP = float(np.log(1000.0 / 16.0))
_IMG_H, _IMG_W = 800.0, 1216.0
_A, _C, _H, _W = 9, 80, 100, 152
_K = 1024
_OFF = _IMG_W + _IMG_H


def _nms_decode_kernel(sc_ref, rel_ref, anc_ref, lab_ref,
                       boxes_out, sc_out, lab_out):
    sc_in = sc_ref[...]
    r0 = rel_ref[0:1, :]
    r1 = rel_ref[1:2, :]
    r2 = rel_ref[2:3, :]
    r3 = rel_ref[3:4, :]
    a0 = anc_ref[0:1, :]
    a1 = anc_ref[1:2, :]
    a2 = anc_ref[2:3, :]
    a3 = anc_ref[3:4, :]
    lab = lab_ref[...]

    w = a2 - a0 + 1.0
    h = a3 - a1 + 1.0
    cx = a0 + 0.5 * w
    cy = a1 + 0.5 * h
    dx = r0 / _WX
    dy = r1 / _WY
    dw = jnp.minimum(r2 / _WW, _CLIP)
    dh = jnp.minimum(r3 / _WH, _CLIP)
    pcx = dx * w + cx
    pcy = dy * h + cy
    pw = jnp.exp(dw) * w
    ph = jnp.exp(dh) * h
    x1 = jnp.clip(pcx - 0.5 * pw, 0.0, _IMG_W - 1.0)
    y1 = jnp.clip(pcy - 0.5 * ph, 0.0, _IMG_H - 1.0)
    x2 = jnp.clip(pcx + 0.5 * pw - 1.0, 0.0, _IMG_W - 1.0)
    y2 = jnp.clip(pcy + 0.5 * ph - 1.0, 0.0, _IMG_H - 1.0)
    ws = x2 - x1 + 1.0
    hs = y2 - y1 + 1.0
    valid = (sc_in > _PRE_NMS_THRESH) & (ws >= 0.0) & (hs >= 0.0)
    sc0 = jnp.where(valid, sc_in, -1.0)

    offs = lab * _OFF
    nx1 = x1 + offs
    ny1 = y1 + offs
    nx2 = x2 + offs
    ny2 = y2 + offs
    areas = (nx2 - nx1 + 1.0) * (ny2 - ny1 + 1.0)
    iota = jax.lax.broadcasted_iota(jnp.int32, (1, _K), 1)

    def body(t, carry):
        sc, ranks = carry
        m = jnp.max(sc, axis=1, keepdims=True)
        bidx = jnp.min(jnp.where(sc == m, iota, _K + 1),
                       axis=1, keepdims=True)
        is_b = iota == bidx
        pick = m > 0.0
        ranks = jnp.where(is_b & pick, t, ranks)
        neg = jnp.float32(-1e30)
        bx1 = jnp.max(jnp.where(is_b, nx1, neg), axis=1, keepdims=True)
        by1 = jnp.max(jnp.where(is_b, ny1, neg), axis=1, keepdims=True)
        bx2 = jnp.max(jnp.where(is_b, nx2, neg), axis=1, keepdims=True)
        by2 = jnp.max(jnp.where(is_b, ny2, neg), axis=1, keepdims=True)
        barea = jnp.max(jnp.where(is_b, areas, neg), axis=1, keepdims=True)
        iw = jnp.maximum(jnp.minimum(nx2, bx2) - jnp.maximum(nx1, bx1) + 1.0,
                         0.0)
        ih = jnp.maximum(jnp.minimum(ny2, by2) - jnp.maximum(ny1, by1) + 1.0,
                         0.0)
        inter = iw * ih
        iou = inter / (areas + barea - inter + 1e-9)
        sup = (iou > _NMS_THRESH) | is_b
        sc = jnp.where(sup, -1.0, sc)
        return sc, ranks

    ranks0 = jnp.full((1, _K), -1, jnp.int32)
    _, ranks = jax.lax.fori_loop(0, _POST_TOP_N, body, (sc0, ranks0))

    iota_r = jax.lax.broadcasted_iota(jnp.int32, (128, 1), 0)
    pmat = (ranks == iota_r).astype(jnp.float32)

    def sel(v):
        return jax.lax.dot_general(pmat, v, (((1,), (1,)), ((), ())),
                                   preferred_element_type=jnp.float32)

    ox1 = sel(x1)
    oy1 = sel(y1)
    ox2 = sel(x2)
    oy2 = sel(y2)
    osc = sel(sc0)
    olab = sel(lab)
    boxes_out[...] = jnp.concatenate([ox1, oy1, ox2, oy2], axis=1)
    sc_out[...] = osc
    lab_out[...] = olab


def _run_nms(sc, rel_t, anc_t, lab):
    out = pl.pallas_call(
        _nms_decode_kernel,
        out_shape=(
            jax.ShapeDtypeStruct((128, 4), jnp.float32),
            jax.ShapeDtypeStruct((128, 1), jnp.float32),
            jax.ShapeDtypeStruct((128, 1), jnp.float32),
        ),
    )(sc, rel_t, anc_t, lab)
    return out


@jax.jit
def kernel(box_cls, box_regression, anchors, stride):
    n = box_cls.shape[0]
    cls = box_cls.reshape(n, _A, _C, _H, _W).transpose(0, 3, 4, 1, 2)
    cls = cls.reshape(n, -1, _C)
    scores = jax.nn.sigmoid(cls)
    reg = box_regression.reshape(n, _A, 4, _H, _W).transpose(0, 3, 4, 1, 2)
    reg = reg.reshape(n, -1, 4)

    flat = scores.reshape(n, -1)
    flat = jnp.where(flat > _PRE_NMS_THRESH, flat, -1.0)
    top_sc, top_idx = jax.lax.top_k(flat, _PRE_NMS_TOP_N)

    box_loc = top_idx // _C
    labels = top_idx % _C + 1

    rel = jnp.take_along_axis(reg, box_loc[:, :, None], axis=1)
    anc = anchors[box_loc]

    pad = _K - _PRE_NMS_TOP_N
    sc_p = jnp.pad(top_sc, ((0, 0), (0, pad)),
                   constant_values=-1.0)[:, None, :]
    rel_t = jnp.pad(rel, ((0, 0), (0, pad), (0, 0))).transpose(0, 2, 1)
    anc_t = jnp.pad(anc, ((0, 0), (0, pad), (0, 0))).transpose(0, 2, 1)
    lab_p = jnp.pad(labels.astype(jnp.float32),
                    ((0, 0), (0, pad)))[:, None, :]

    boxes, sc, lab = jax.vmap(_run_nms)(sc_p, rel_t, anc_t, lab_p)
    out_boxes = boxes[:, :_POST_TOP_N, :]
    out_scores = sc[:, :_POST_TOP_N, 0]
    out_labels = lab[:, :_POST_TOP_N, 0].astype(jnp.int32)
    return out_boxes, out_scores, out_labels

# --- scband reference (transcript-rebuilt; emitter-appended) ---
"""Pipeline reference for scband-retina-net-post-processor-47674136985807 (READ-ONLY COPY).

The authoritative reference and input builder live on the scoring server;
editing this copy changes nothing except your own understanding.
"""

import jax, jax.numpy as jnp
import numpy as np

PRE_NMS_THRESH = 0.05
PRE_NMS_TOP_N = 1000
NMS_THRESH = 0.5
FPN_POST_NMS_TOP_N = 100
MIN_SIZE = 0.0
WX, WY, WW, WH = 10.0, 10.0, 5.0, 5.0
BBOX_XFORM_CLIP = float(np.log(1000.0 / 16.0))
IMG_H, IMG_W = 800.0, 1216.0
N_, A_, C_, H_, W_ = 2, 9, 80, 100, 152
STRIDE = 8

_CELL = np.array([[-18.0, -8.0, 25.0, 15.0], [-23.7183, -11.1191, 30.7183, 18.1191], [-30.9228, -15.0488, 37.9228, 22.0488], [-12.0, -12.0, 19.0, 19.0], [-16.1587, -16.1587, 23.1587, 23.1587], [-21.3984, -21.3984, 28.3984, 28.3984], [-8.0, -20.0, 15.0, 27.0], [-11.1191, -26.2381, 18.1191, 33.2381], [-15.0488, -34.0976, 22.0488, 41.0976]], dtype=np.float32)


def _grid_anchors():
    sx = np.arange(W_, dtype=np.float32) * STRIDE
    sy = np.arange(H_, dtype=np.float32) * STRIDE
    yy, xx = np.meshgrid(sy, sx, indexing='ij')
    shifts = np.stack([xx.ravel(), yy.ravel(), xx.ravel(), yy.ravel()], axis=1)
    anc = (shifts[:, None, :] + _CELL[None, :, :]).reshape(-1, 4)
    return anc


def setup_inputs(seed: int = 0):
    key = jax.random.key(seed)
    k1, k2 = jax.random.split(key)
    box_cls = jax.random.normal(k1, (N_, A_ * C_, H_, W_), dtype=jnp.float32)
    box_regression = jax.random.normal(k2, (N_, A_ * 4, H_, W_), dtype=jnp.float32) * 0.5
    anchors = jnp.asarray(_grid_anchors())
    return {"box_cls": box_cls, "box_regression": box_regression, "anchors": anchors, "stride": 8}


def _decode(rel, anc):
    widths = anc[:, 2] - anc[:, 0] + 1.0
    heights = anc[:, 3] - anc[:, 1] + 1.0
    ctr_x = anc[:, 0] + 0.5 * widths
    ctr_y = anc[:, 1] + 0.5 * heights
    dx = rel[:, 0] / WX
    dy = rel[:, 1] / WY
    dw = jnp.minimum(rel[:, 2] / WW, BBOX_XFORM_CLIP)
    dh = jnp.minimum(rel[:, 3] / WH, BBOX_XFORM_CLIP)
    pred_ctr_x = dx * widths + ctr_x
    pred_ctr_y = dy * heights + ctr_y
    pred_w = jnp.exp(dw) * widths
    pred_h = jnp.exp(dh) * heights
    x1 = pred_ctr_x - 0.5 * pred_w
    y1 = pred_ctr_y - 0.5 * pred_h
    x2 = pred_ctr_x + 0.5 * pred_w - 1.0
    y2 = pred_ctr_y + 0.5 * pred_h - 1.0
    return jnp.stack([x1, y1, x2, y2], axis=1)


def _nms(boxes, scores, iou_th, max_out):
    K = boxes.shape[0]
    x1, y1, x2, y2 = boxes[:, 0], boxes[:, 1], boxes[:, 2], boxes[:, 3]
    areas = (x2 - x1 + 1.0) * (y2 - y1 + 1.0)

    def body(sc, _):
        best = jnp.argmax(sc)
        best_sc = sc[best]
        iw = jnp.maximum(jnp.minimum(x2, x2[best]) - jnp.maximum(x1, x1[best]) + 1.0, 0.0)
        ih = jnp.maximum(jnp.minimum(y2, y2[best]) - jnp.maximum(y1, y1[best]) + 1.0, 0.0)
        inter = iw * ih
        iou = inter / (areas + areas[best] - inter + 1e-9)
        sup = (iou > iou_th) | (jnp.arange(K) == best)
        new_sc = jnp.where(sup, -1.0, sc)
        return new_sc, (best, best_sc)

    _, (idx, out_sc) = jax.lax.scan(body, scores, None, length=max_out)
    return idx, out_sc


def _single_image(scores2d, reg2d, anchors):
    flat = scores2d.reshape(-1)
    flat = jnp.where(flat > PRE_NMS_THRESH, flat, -1.0)
    top_sc, top_idx = jax.lax.top_k(flat, PRE_NMS_TOP_N)
    box_loc = top_idx // C_
    labels = top_idx % C_ + 1
    det = _decode(reg2d[box_loc], anchors[box_loc])
    x1 = jnp.clip(det[:, 0], 0.0, IMG_W - 1.0)
    y1 = jnp.clip(det[:, 1], 0.0, IMG_H - 1.0)
    x2 = jnp.clip(det[:, 2], 0.0, IMG_W - 1.0)
    y2 = jnp.clip(det[:, 3], 0.0, IMG_H - 1.0)
    det = jnp.stack([x1, y1, x2, y2], axis=1)
    ws = det[:, 2] - det[:, 0] + 1.0
    hs = det[:, 3] - det[:, 1] + 1.0
    valid = (top_sc > PRE_NMS_THRESH) & (ws >= MIN_SIZE) & (hs >= MIN_SIZE)
    sc = jnp.where(valid, top_sc, -1.0)
    offs = labels.astype(jnp.float32) * (IMG_W + IMG_H)
    nms_boxes = det + offs[:, None]
    keep, kept_sc = _nms(nms_boxes, sc, NMS_THRESH, FPN_POST_NMS_TOP_N)
    good = kept_sc > 0.0
    out_boxes = jnp.where(good[:, None], det[keep], 0.0)
    out_scores = jnp.where(good, kept_sc, 0.0)
    out_labels = jnp.where(good, labels[keep], 0)
    return out_boxes, out_scores, out_labels


def reference(box_cls, box_regression, anchors, stride):
    N = box_cls.shape[0]
    cls = box_cls.reshape(N, A_, C_, H_, W_).transpose(0, 3, 4, 1, 2).reshape(N, -1, C_)
    scores = jax.nn.sigmoid(cls)
    reg = box_regression.reshape(N, A_, 4, H_, W_).transpose(0, 3, 4, 1, 2).reshape(N, -1, 4)
    fn = jax.vmap(lambda s, r: _single_image(s, r, anchors))
    out_boxes, out_scores, out_labels = fn(scores, reg)
    return out_boxes, out_scores, out_labels

if __name__ == "__main__":
    import jax
    _d = setup_inputs()
    print(jax.jit(kernel)(*tuple(_d.values())))

</pallas_src>

<mosaic_0001>
module attributes {stable_mosaic.version = 14 : i64} {
  func.func @_nms_decode_kernel(%arg0: i32, %arg1: memref<1x1x1024xf32, #tpu.memory_space<vmem>>, %arg2: memref<1x4x1024xf32, #tpu.memory_space<vmem>>, %arg3: memref<1x4x1024xf32, #tpu.memory_space<vmem>>, %arg4: memref<1x1x1024xf32, #tpu.memory_space<vmem>>, %arg5: memref<1x128x4xf32, #tpu.memory_space<vmem>>, %arg6: memref<1x128x1xf32, #tpu.memory_space<vmem>>, %arg7: memref<1x128x1xf32, #tpu.memory_space<vmem>>) attributes {dimension_semantics = [#tpu.dimension_semantics<parallel>], iteration_bounds = array<i64: 2>, scalar_prefetch = 0 : i64, scratch_operands = 0 : i64, tpu.core_type = #tpu.core_type<tc>, window_params = [{transform_indices = @transform_0, window_bounds = array<i64: 1, 1, 1024>}, {transform_indices = @transform_1, window_bounds = array<i64: 1, 4, 1024>}, {transform_indices = @transform_2, window_bounds = array<i64: 1, 4, 1024>}, {transform_indices = @transform_3, window_bounds = array<i64: 1, 1, 1024>}, {transform_indices = @transform_4, window_bounds = array<i64: 1, 128, 4>}, {transform_indices = @transform_5, window_bounds = array<i64: 1, 128, 1>}, {transform_indices = @transform_6, window_bounds = array<i64: 1, 128, 1>}]} {
    %get3A = arith.constant 0 : index
    %get3A_0 = arith.constant 0 : index
    %get3A_1 = arith.constant 0 : index
    %get3A_2 = vector.load %arg1[%get3A, %get3A_0, %get3A_1] : memref<1x1x1024xf32, #tpu.memory_space<vmem>>, vector<1x1x1024xf32>
    %get3A_3 = vector.shape_cast %get3A_2 : vector<1x1x1024xf32> to vector<1x1024xf32>
    %get3A_4 = arith.constant 0 : index
    %get3A_5 = arith.constant 0 : index
    %get3A_6 = arith.constant 0 : index
    %get3A_7 = vector.load %arg2[%get3A_4, %get3A_5, %get3A_6] : memref<1x4x1024xf32, #tpu.memory_space<vmem>>, vector<1x1x1024xf32>
    %get3A_8 = vector.shape_cast %get3A_7 : vector<1x1x1024xf32> to vector<1x1024xf32>
    %get3A_9 = arith.constant 0 : index
    %get3A_10 = arith.constant 1 : index
    %get3A_11 = arith.constant 0 : index
    %get3A_12 = vector.load %arg2[%get3A_9, %get3A_10, %get3A_11] : memref<1x4x1024xf32, #tpu.memory_space<vmem>>, vector<1x1x1024xf32>
    %get3A_13 = vector.shape_cast %get3A_12 : vector<1x1x1024xf32> to vector<1x1024xf32>
    %get3A_14 = arith.constant 0 : index
    %get3A_15 = arith.constant 2 : index
    %get3A_16 = arith.constant 0 : index
    %get3A_17 = vector.load %arg2[%get3A_14, %get3A_15, %get3A_16] : memref<1x4x1024xf32, #tpu.memory_space<vmem>>, vector<1x1x1024xf32>
    %get3A_18 = vector.shape_cast %get3A_17 : vector<1x1x1024xf32> to vector<1x1024xf32>
    %get3A_19 = arith.constant 0 : index
    %get3A_20 = arith.constant 3 : index
    %get3A_21 = arith.constant 0 : index
    %get3A_22 = vector.load %arg2[%get3A_19, %get3A_20, %get3A_21] : memref<1x4x1024xf32, #tpu.memory_space<vmem>>, vector<1x1x1024xf32>
    %get3A_23 = vector.shape_cast %get3A_22 : vector<1x1x1024xf32> to vector<1x1024xf32>
    %get3A_24 = arith.constant 0 : index
    %get3A_25 = arith.constant 0 : index
    %get3A_26 = arith.constant 0 : index
    %get3A_27 = vector.load %arg3[%get3A_24, %get3A_25, %get3A_26] : memref<1x4x1024xf32, #tpu.memory_space<vmem>>, vector<1x1x1024xf32>
    %get3A_28 = vector.shape_cast %get3A_27 : vector<1x1x1024xf32> to vector<1x1024xf32>
    %get3A_29 = arith.constant 0 : index
    %get3A_30 = arith.constant 1 : index
    %get3A_31 = arith.constant 0 : index
    %get3A_32 = vector.load %arg3[%get3A_29, %get3A_30, %get3A_31] : memref<1x4x1024xf32, #tpu.memory_space<vmem>>, vector<1x1x1024xf32>
    %get3A_33 = vector.shape_cast %get3A_32 : vector<1x1x1024xf32> to vector<1x1024xf32>
    %get3A_34 = arith.constant 0 : index
    %get3A_35 = arith.constant 2 : index
    %get3A_36 = arith.constant 0 : index
    %get3A_37 = vector.load %arg3[%get3A_34, %get3A_35, %get3A_36] : memref<1x4x1024xf32, #tpu.memory_space<vmem>>, vector<1x1x1024xf32>
    %get3A_38 = vector.shape_cast %get3A_37 : vector<1x1x1024xf32> to vector<1x1024xf32>
    %get3A_39 = arith.constant 0 : index
    %get3A_40 = arith.constant 3 : index
    %get3A_41 = arith.constant 0 : index
    %get3A_42 = vector.load %arg3[%get3A_39, %get3A_40, %get3A_41] : memref<1x4x1024xf32, #tpu.memory_space<vmem>>, vector<1x1x1024xf32>
    %get3A_43 = vector.shape_cast %get3A_42 : vector<1x1x1024xf32> to vector<1x1024xf32>
    %get3A_44 = arith.constant 0 : index
    %get3A_45 = arith.constant 0 : index
    %get3A_46 = arith.constant 0 : index
    %get3A_47 = vector.load %arg4[%get3A_44, %get3A_45, %get3A_46] : memref<1x1x1024xf32, #tpu.memory_space<vmem>>, vector<1x1x1024xf32>
    %get3A_48 = vector.shape_cast %get3A_47 : vector<1x1x1024xf32> to vector<1x1024xf32>
    %sub3A = arith.subf %get3A_38, %get3A_28 : vector<1x1024xf32>
    %add3A = arith.constant 1.000000e+00 : f32
    %add3A_49 = vector.broadcast %add3A : f32 to vector<1x1024xf32>
    %add3A_50 = arith.addf %sub3A, %add3A_49 : vector<1x1024xf32>
    %sub3A_51 = arith.subf %get3A_43, %get3A_33 : vector<1x1024xf32>
    %add3A_52 = arith.constant 1.000000e+00 : f32
    %add3A_53 = vector.broadcast %add3A_52 : f32 to vector<1x1024xf32>
    %add3A_54 = arith.addf %sub3A_51, %add3A_53 : vector<1x1024xf32>
    %mul3A = arith.constant 5.000000e-01 : f32
    %mul3A_55 = vector.broadcast %mul3A : f32 to vector<1x1024xf32>
    %mul3A_56 = arith.mulf %mul3A_55, %add3A_50 : vector<1x1024xf32>
    %add3A_57 = arith.addf %get3A_28, %mul3A_56 : vector<1x1024xf32>
    %mul3A_58 = arith.constant 5.000000e-01 : f32
    %mul3A_59 = vector.broadcast %mul3A_58 : f32 to vector<1x1024xf32>
    %mul3A_60 = arith.mulf %mul3A_59, %add3A_54 : vector<1x1024xf32>
    %add3A_61 = arith.addf %get3A_33, %mul3A_60 : vector<1x1024xf32>
    %div3A = arith.constant 1.000000e+01 : f32
    %div3A_62 = vector.broadcast %div3A : f32 to vector<1x1024xf32>
    %div3A_63 = arith.divf %get3A_8, %div3A_62 : vector<1x1024xf32>
    %div3A_64 = arith.constant 1.000000e+01 : f32
    %div3A_65 = vector.broadcast %div3A_64 : f32 to vector<1x1024xf32>
    %div3A_66 = arith.divf %get3A_13, %div3A_65 : vector<1x1024xf32>
    %div3A_67 = arith.constant 5.000000e+00 : f32
    %div3A_68 = vector.broadcast %div3A_67 : f32 to vector<1x1024xf32>
    %div3A_69 = arith.divf %get3A_18, %div3A_68 : vector<1x1024xf32>
    %min3A = arith.constant 4.13516665 : f32
    %min3A_70 = vector.broadcast %min3A : f32 to vector<1x1024xf32>
    %min3A_71 = arith.minimumf %div3A_69, %min3A_70 : vector<1x1024xf32>
    %div3A_72 = arith.constant 5.000000e+00 : f32
    %div3A_73 = vector.broadcast %div3A_72 : f32 to vector<1x1024xf32>
    %div3A_74 = arith.divf %get3A_23, %div3A_73 : vector<1x1024xf32>
    %min3A_75 = arith.constant 4.13516665 : f32
    %min3A_76 = vector.broadcast %min3A_75 : f32 to vector<1x1024xf32>
    %min3A_77 = arith.minimumf %div3A_74, %min3A_76 : vector<1x1024xf32>
    %mul3A_78 = arith.mulf %div3A_63, %add3A_50 : vector<1x1024xf32>
    %add3A_79 = arith.addf %mul3A_78, %add3A_57 : vector<1x1024xf32>
    %mul3A_80 = arith.mulf %div3A_66, %add3A_54 : vector<1x1024xf32>
    %add3A_81 = arith.addf %mul3A_80, %add3A_61 : vector<1x1024xf32>
    %exp3A = math.exp %min3A_71 : vector<1x1024xf32>
    %mul3A_82 = arith.mulf %exp3A, %add3A_50 : vector<1x1024xf32>
    %exp3A_83 = math.exp %min3A_77 : vector<1x1024xf32>
    %mul3A_84 = arith.mulf %exp3A_83, %add3A_54 : vector<1x1024xf32>
    %mul3A_85 = arith.constant 5.000000e-01 : f32
    %mul3A_86 = vector.broadcast %mul3A_85 : f32 to vector<1x1024xf32>
    %mul3A_87 = arith.mulf %mul3A_86, %mul3A_82 : vector<1x1024xf32>
    %sub3A_88 = arith.subf %add3A_79, %mul3A_87 : vector<1x1024xf32>
    %jit3A = arith.constant 0.000000e+00 : f32
    %jit3A_89 = arith.constant 1.215000e+03 : f32
    %max3A = vector.broadcast %jit3A : f32 to vector<1x1024xf32>
    %max3A_90 = arith.maximumf %max3A, %sub3A_88 : vector<1x1024xf32>
    %min3A_91 = vector.broadcast %jit3A_89 : f32 to vector<1x1024xf32>
    %min3A_92 = arith.minimumf %min3A_91, %max3A_90 : vector<1x1024xf32>
    %mul3A_93 = arith.constant 5.000000e-01 : f32
    %mul3A_94 = vector.broadcast %mul3A_93 : f32 to vector<1x1024xf32>
    %mul3A_95 = arith.mulf %mul3A_94, %mul3A_84 : vector<1x1024xf32>
    %sub3A_96 = arith.subf %add3A_81, %mul3A_95 : vector<1x1024xf32>
    %jit3A_97 = arith.constant 0.000000e+00 : f32
    %jit3A_98 = arith.constant 7.990000e+02 : f32
    %max3A_99 = vector.broadcast %jit3A_97 : f32 to vector<1x1024xf32>
    %max3A_100 = arith.maximumf %max3A_99, %sub3A_96 : vector<1x1024xf32>
    %min3A_101 = vector.broadcast %jit3A_98 : f32 to vector<1x1024xf32>
    %min3A_102 = arith.minimumf %min3A_101, %max3A_100 : vector<1x1024xf32>
    %mul3A_103 = arith.constant 5.000000e-01 : f32
    %mul3A_104 = vector.broadcast %mul3A_103 : f32 to vector<1x1024xf32>
    %mul3A_105 = arith.mulf %mul3A_104, %mul3A_82 : vector<1x1024xf32>
    %add3A_106 = arith.addf %add3A_79, %mul3A_105 : vector<1x1024xf32>
    %sub3A_107 = arith.constant 1.000000e+00 : f32
    %sub3A_108 = vector.broadcast %sub3A_107 : f32 to vector<1x1024xf32>
    %sub3A_109 = arith.subf %add3A_106, %sub3A_108 : vector<1x1024xf32>
    %jit3A_110 = arith.constant 0.000000e+00 : f32
    %jit3A_111 = arith.constant 1.215000e+03 : f32
    %max3A_112 = vector.broadcast %jit3A_110 : f32 to vector<1x1024xf32>
    %max3A_113 = arith.maximumf %max3A_112, %sub3A_109 : vector<1x1024xf32>
    %min3A_114 = vector.broadcast %jit3A_111 : f32 to vector<1x1024xf32>
    %min3A_115 = arith.minimumf %min3A_114, %max3A_113 : vector<1x1024xf32>
    %mul3A_116 = arith.constant 5.000000e-01 : f32
    %mul3A_117 = vector.broadcast %mul3A_116 : f32 to vector<1x1024xf32>
    %mul3A_118 = arith.mulf %mul3A_117, %mul3A_84 : vector<1x1024xf32>
    %add3A_119 = arith.addf %add3A_81, %mul3A_118 : vector<1x1024xf32>
    %sub3A_120 = arith.constant 1.000000e+00 : f32
    %sub3A_121 = vector.broadcast %sub3A_120 : f32 to vector<1x1024xf32>
    %sub3A_122 = arith.subf %add3A_119, %sub3A_121 : vector<1x1024xf32>
    %jit3A_123 = arith.constant 0.000000e+00 : f32
    %jit3A_124 = arith.constant 7.990000e+02 : f32
    %max3A_125 = vector.broadcast %jit3A_123 : f32 to vector<1x1024xf32>
    %max3A_126 = arith.maximumf %max3A_125, %sub3A_122 : vector<1x1024xf32>
    %min3A_127 = vector.broadcast %jit3A_124 : f32 to vector<1x1024xf32>
    %min3A_128 = arith.minimumf %min3A_127, %max3A_126 : vector<1x1024xf32>
    %sub3A_129 = arith.subf %min3A_115, %min3A_92 : vector<1x1024xf32>
    %add3A_130 = arith.constant 1.000000e+00 : f32
    %add3A_131 = vector.broadcast %add3A_130 : f32 to vector<1x1024xf32>
    %add3A_132 = arith.addf %sub3A_129, %add3A_131 : vector<1x1024xf32>
    %sub3A_133 = arith.subf %min3A_128, %min3A_102 : vector<1x1024xf32>
    %add3A_134 = arith.constant 1.000000e+00 : f32
    %add3A_135 = vector.broadcast %add3A_134 : f32 to vector<1x1024xf32>
    %add3A_136 = arith.addf %sub3A_133, %add3A_135 : vector<1x1024xf32>
    %gt3A = arith.constant 5.000000e-02 : f32
    %gt3A_137 = vector.broadcast %gt3A : f32 to vector<1x1024xf32>
    %gt3A_138 = arith.cmpf ogt, %get3A_3, %gt3A_137 : vector<1x1024xf32>
    %ge3A = arith.constant 0.000000e+00 : f32
    %ge3A_139 = vector.broadcast %ge3A : f32 to vector<1x1024xf32>
    %ge3A_140 = arith.cmpf oge, %add3A_132, %ge3A_139 : vector<1x1024xf32>
    %and3A = arith.andi %gt3A_138, %ge3A_140 : vector<1x1024xi1>
    %ge3A_141 = arith.constant 0.000000e+00 : f32
    %ge3A_142 = vector.broadcast %ge3A_141 : f32 to vector<1x1024xf32>
    %ge3A_143 = arith.cmpf oge, %add3A_136, %ge3A_142 : vector<1x1024xf32>
    %and3A_144 = arith.andi %and3A, %ge3A_143 : vector<1x1024xi1>
    %jit3A_145 = arith.constant -1.000000e+00 : f32
    %broadcast_in_dim3A = vector.broadcast %jit3A_145 : f32 to vector<1x1024xf32>
    %select_n3A = arith.select %and3A_144, %get3A_3, %broadcast_in_dim3A : vector<1x1024xi1>, vector<1x1024xf32>
    %mul3A_146 = arith.constant 2.016000e+03 : f32
    %mul3A_147 = vector.broadcast %mul3A_146 : f32 to vector<1x1024xf32>
    %mul3A_148 = arith.mulf %get3A_48, %mul3A_147 : vector<1x1024xf32>
    %add3A_149 = arith.addf %min3A_92, %mul3A_148 : vector<1x1024xf32>
    %add3A_150 = arith.addf %min3A_102, %mul3A_148 : vector<1x1024xf32>
    %add3A_151 = arith.addf %min3A_115, %mul3A_148 : vector<1x1024xf32>
    %add3A_152 = arith.addf %min3A_128, %mul3A_148 : vector<1x1024xf32>
    %sub3A_153 = arith.subf %add3A_151, %add3A_149 : vector<1x1024xf32>
    %add3A_154 = arith.constant 1.000000e+00 : f32
    %add3A_155 = vector.broadcast %add3A_154 : f32 to vector<1x1024xf32>
    %add3A_156 = arith.addf %sub3A_153, %add3A_155 : vector<1x1024xf32>
    %sub3A_157 = arith.subf %add3A_152, %add3A_150 : vector<1x1024xf32>
    %add3A_158 = arith.constant 1.000000e+00 : f32
    %add3A_159 = vector.broadcast %add3A_158 : f32 to vector<1x1024xf32>
    %add3A_160 = arith.addf %sub3A_157, %add3A_159 : vector<1x1024xf32>
    %mul3A_161 = arith.mulf %add3A_156, %add3A_160 : vector<1x1024xf32>
    %iota3A = tpu.iota {dimensions = array<i32: 1>} : vector<1x1024xi32>
    %broadcast_in_dim3A_162 = arith.constant -1 : i32
    %broadcast_in_dim3A_163 = vector.broadcast %broadcast_in_dim3A_162 : i32 to vector<1x1024xi32>
    %scan3A = arith.constant 0 : i32
    %scan3A_164 = arith.constant 100 : i32
    %scan3A_165 = arith.addi %scan3A, %scan3A_164 : i32
    %scan3A_166 = arith.constant 1 : i32
    %scan3A_167:2 = scf.for %scan3A_201 = %scan3A to %scan3A_165 step %scan3A_166 iter_args(%scan3A_202 = %select_n3A, %scan3A_203 = %broadcast_in_dim3A_163) -> (vector<1x1024xf32>, vector<1x1024xi32>)  : i32 {
      %reduce_max3A = arith.constant dense<0xFF800000> : vector<1xf32>
      %reduce_max3A_204 = vector.multi_reduction <maximumf>, %scan3A_202, %reduce_max3A [1] : vector<1x1024xf32> to vector<1xf32>
      %broadcast_in_dim3A_205 = vector.shape_cast %reduce_max3A_204 : vector<1xf32> to vector<1x1xf32>
      %eq3A_206 = vector.broadcast %broadcast_in_dim3A_205 : vector<1x1xf32> to vector<1x1024xf32>
      %eq3A_207 = arith.cmpf oeq, %scan3A_202, %eq3A_206 : vector<1x1024xf32>
      %jit3A_208 = arith.constant 1025 : i32
      %broadcast_in_dim3A_209 = vector.broadcast %jit3A_208 : i32 to vector<1x1024xi32>
      %select_n3A_210 = arith.select %eq3A_207, %iota3A, %broadcast_in_dim3A_209 : vector<1x1024xi1>, vector<1x1024xi32>
      %reduce_min3A = arith.constant dense<2147483647> : vector<1xi32>
      %reduce_min3A_211 = vector.multi_reduction <minsi>, %select_n3A_210, %reduce_min3A [1] : vector<1x1024xi32> to vector<1xi32>
      %broadcast_in_dim3A_212 = vector.shape_cast %reduce_min3A_211 : vector<1xi32> to vector<1x1xi32>
      %eq3A_213 = vector.broadcast %broadcast_in_dim3A_212 : vector<1x1xi32> to vector<1x1024xi32>
      %eq3A_214 = arith.cmpi eq, %iota3A, %eq3A_213 : vector<1x1024xi32>
      %gt3A_215 = arith.constant 0.000000e+00 : f32
      %gt3A_216 = vector.broadcast %gt3A_215 : f32 to vector<1x1xf32>
      %gt3A_217 = arith.cmpf ogt, %broadcast_in_dim3A_205, %gt3A_216 : vector<1x1xf32>
      %and3A_218 = vector.broadcast %gt3A_217 : vector<1x1xi1> to vector<1x1024xi1>
      %and3A_219 = arith.andi %eq3A_214, %and3A_218 : vector<1x1024xi1>
      %broadcast_in_dim3A_220 = vector.broadcast %scan3A_201 : i32 to vector<1x1024xi32>
      %select_n3A_221 = arith.select %and3A_219, %broadcast_in_dim3A_220, %scan3A_203 : vector<1x1024xi1>, vector<1x1024xi32>
      %jit3A_222 = arith.constant -1.000000e+30 : f32
      %broadcast_in_dim3A_223 = vector.broadcast %jit3A_222 : f32 to vector<1x1024xf32>
      %select_n3A_224 = arith.select %eq3A_214, %add3A_149, %broadcast_in_dim3A_223 : vector<1x1024xi1>, vector<1x1024xf32>
      %reduce_max3A_225 = arith.constant dense<0xFF800000> : vector<1xf32>
      %reduce_max3A_226 = vector.multi_reduction <maximumf>, %select_n3A_224, %reduce_max3A_225 [1] : vector<1x1024xf32> to vector<1xf32>
      %broadcast_in_dim3A_227 = vector.shape_cast %reduce_max3A_226 : vector<1xf32> to vector<1x1xf32>
      %jit3A_228 = arith.constant -1.000000e+30 : f32
      %broadcast_in_dim3A_229 = vector.broadcast %jit3A_228 : f32 to vector<1x1024xf32>
      %select_n3A_230 = arith.select %eq3A_214, %add3A_150, %broadcast_in_dim3A_229 : vector<1x1024xi1>, vector<1x1024xf32>
      %reduce_max3A_231 = arith.constant dense<0xFF800000> : vector<1xf32>
      %reduce_max3A_232 = vector.multi_reduction <maximumf>, %select_n3A_230, %reduce_max3A_231 [1] : vector<1x1024xf32> to vector<1xf32>
      %broadcast_in_dim3A_233 = vector.shape_cast %reduce_max3A_232 : vector<1xf32> to vector<1x1xf32>
      %jit3A_234 = arith.constant -1.000000e+30 : f32
      %broadcast_in_dim3A_235 = vector.broadcast %jit3A_234 : f32 to vector<1x1024xf32>
      %select_n3A_236 = arith.select %eq3A_214, %add3A_151, %broadcast_in_dim3A_235 : vector<1x1024xi1>, vector<1x1024xf32>
      %reduce_max3A_237 = arith.constant dense<0xFF800000> : vector<1xf32>
      %reduce_max3A_238 = vector.multi_reduction <maximumf>, %select_n3A_236, %reduce_max3A_237 [1] : vector<1x1024xf32> to vector<1xf32>
      %broadcast_in_dim3A_239 = vector.shape_cast %reduce_max3A_238 : vector<1xf32> to vector<1x1xf32>
      %jit3A_240 = arith.constant -1.000000e+30 : f32
      %broadcast_in_dim3A_241 = vector.broadcast %jit3A_240 : f32 to vector<1x1024xf32>
      %select_n3A_242 = arith.select %eq3A_214, %add3A_152, %broadcast_in_dim3A_241 : vector<1x1024xi1>, vector<1x1024xf32>
      %reduce_max3A_243 = arith.constant dense<0xFF800000> : vector<1xf32>
      %reduce_max3A_244 = vector.multi_reduction <maximumf>, %select_n3A_242, %reduce_max3A_243 [1] : vector<1x1024xf32> to vector<1xf32>
      %broadcast_in_dim3A_245 = vector.shape_cast %reduce_max3A_244 : vector<1xf32> to vector<1x1xf32>
      %jit3A_246 = arith.constant -1.000000e+30 : f32
      %broadcast_in_dim3A_247 = vector.broadcast %jit3A_246 : f32 to vector<1x1024xf32>
      %select_n3A_248 = arith.select %eq3A_214, %mul3A_161, %broadcast_in_dim3A_247 : vector<1x1024xi1>, vector<1x1024xf32>
      %reduce_max3A_249 = arith.constant dense<0xFF800000> : vector<1xf32>
      %reduce_max3A_250 = vector.multi_reduction <maximumf>, %select_n3A_248, %reduce_max3A_249 [1] : vector<1x1024xf32> to vector<1xf32>
      %broadcast_in_dim3A_251 = vector.shape_cast %reduce_max3A_250 : vector<1xf32> to vector<1x1xf32>
      %min3A_252 = vector.broadcast %broadcast_in_dim3A_239 : vector<1x1xf32> to vector<1x1024xf32>
      %min3A_253 = arith.minimumf %add3A_151, %min3A_252 : vector<1x1024xf32>
      %max3A_254 = vector.broadcast %broadcast_in_dim3A_227 : vector<1x1xf32> to vector<1x1024xf32>
      %max3A_255 = arith.maximumf %add3A_149, %max3A_254 : vector<1x1024xf32>
      %sub3A_256 = arith.subf %min3A_253, %max3A_255 : vector<1x1024xf32>
      %add3A_257 = arith.constant 1.000000e+00 : f32
      %add3A_258 = vector.broadcast %add3A_257 : f32 to vector<1x1024xf32>
      %add3A_259 = arith.addf %sub3A_256, %add3A_258 : vector<1x1024xf32>
      %max3A_260 = arith.constant 0.000000e+00 : f32
      %max3A_261 = vector.broadcast %max3A_260 : f32 to vector<1x1024xf32>
      %max3A_262 = arith.maximumf %add3A_259, %max3A_261 : vector<1x1024xf32>
      %min3A_263 = vector.broadcast %broadcast_in_dim3A_245 : vector<1x1xf32> to vector<1x1024xf32>
      %min3A_264 = arith.minimumf %add3A_152, %min3A_263 : vector<1x1024xf32>
      %max3A_265 = vector.broadcast %broadcast_in_dim3A_233 : vector<1x1xf32> to vector<1x1024xf32>
      %max3A_266 = arith.maximumf %add3A_150, %max3A_265 : vector<1x1024xf32>
      %sub3A_267 = arith.subf %min3A_264, %max3A_266 : vector<1x1024xf32>
      %add3A_268 = arith.constant 1.000000e+00 : f32
      %add3A_269 = vector.broadcast %add3A_268 : f32 to vector<1x1024xf32>
      %add3A_270 = arith.addf %sub3A_267, %add3A_269 : vector<1x1024xf32>
      %max3A_271 = arith.constant 0.000000e+00 : f32
      %max3A_272 = vector.broadcast %max3A_271 : f32 to vector<1x1024xf32>
      %max3A_273 = arith.maximumf %add3A_270, %max3A_272 : vector<1x1024xf32>
      %mul3A_274 = arith.mulf %max3A_262, %max3A_273 : vector<1x1024xf32>
      %add3A_275 = vector.broadcast %broadcast_in_dim3A_251 : vector<1x1xf32> to vector<1x1024xf32>
      %add3A_276 = arith.addf %mul3A_161, %add3A_275 : vector<1x1024xf32>
      %sub3A_277 = arith.subf %add3A_276, %mul3A_274 : vector<1x1024xf32>
      %add3A_278 = arith.constant 9.99999971E-10 : f32
      %add3A_279 = vector.broadcast %add3A_278 : f32 to vector<1x1024xf32>
      %add3A_280 = arith.addf %sub3A_277, %add3A_279 : vector<1x1024xf32>
      %div3A_281 = arith.divf %mul3A_274, %add3A_280 : vector<1x1024xf32>
      %gt3A_282 = arith.constant 5.000000e-01 : f32
      %gt3A_283 = vector.broadcast %gt3A_282 : f32 to vector<1x1024xf32>
      %gt3A_284 = arith.cmpf ogt, %div3A_281, %gt3A_283 : vector<1x1024xf32>
      %or3A = arith.ori %gt3A_284, %eq3A_214 : vector<1x1024xi1>
      %jit3A_285 = arith.constant -1.000000e+00 : f32
      %broadcast_in_dim3A_286 = vector.broadcast %jit3A_285 : f32 to vector<1x1024xf32>
      %select_n3A_287 = arith.select %or3A, %broadcast_in_dim3A_286, %scan3A_202 : vector<1x1024xi1>, vector<1x1024xf32>
      scf.yield %select_n3A_287, %select_n3A_221 : vector<1x1024xf32>, vector<1x1024xi32>
    }
    %scan3A_168 = arith.constant 100 : i32
    %iota3A_169 = tpu.iota {dimensions = array<i32: 0>} : vector<128x1xi32>
    %eq3A = vector.broadcast %scan3A_167#1 : vector<1x1024xi32> to vector<128x1024xi32>
    %eq3A_170 = vector.broadcast %iota3A_169 : vector<128x1xi32> to vector<128x1024xi32>
    %eq3A_171 = arith.cmpi eq, %eq3A, %eq3A_170 : vector<128x1024xi32>
    %convert_element_type3A = arith.extui %eq3A_171 : vector<128x1024xi1> to vector<128x1024xi32>
    %convert_element_type3A_172 = arith.sitofp %convert_element_type3A : vector<128x1024xi32> to vector<128x1024xf32>
    %dot_general3A = arith.constant dense<0.000000e+00> : vector<128x1xf32>
    %dot_general3A_173 = tpu.matmul %convert_element_type3A_172, %min3A_92, %dot_general3A {dimension_numbers = #tpu.dot_dimension_numbers<[1], [1], [0], [0], [0, 0, 1, 0], [], []>, transpose_lhs_hint = false} : vector<128x1024xf32>, vector<1x1024xf32>, vector<128x1xf32> -> vector<128x1xf32>
    %dot_general3A_174 = arith.constant dense<0.000000e+00> : vector<128x1xf32>
    %dot_general3A_175 = tpu.matmul %convert_element_type3A_172, %min3A_102, %dot_general3A_174 {dimension_numbers = #tpu.dot_dimension_numbers<[1], [1], [0], [0], [0, 0, 1, 0], [], []>, transpose_lhs_hint = false} : vector<128x1024xf32>, vector<1x1024xf32>, vector<128x1xf32> -> vector<128x1xf32>
    %dot_general3A_176 = arith.constant dense<0.000000e+00> : vector<128x1xf32>
    %dot_general3A_177 = tpu.matmul %convert_element_type3A_172, %min3A_115, %dot_general3A_176 {dimension_numbers = #tpu.dot_dimension_numbers<[1], [1], [0], [0], [0, 0, 1, 0], [], []>, transpose_lhs_hint = false} : vector<128x1024xf32>, vector<1x1024xf32>, vector<128x1xf32> -> vector<128x1xf32>
    %dot_general3A_178 = arith.constant dense<0.000000e+00> : vector<128x1xf32>
    %dot_general3A_179 = tpu.matmul %convert_element_type3A_172, %min3A_128, %dot_general3A_178 {dimension_numbers = #tpu.dot_dimension_numbers<[1], [1], [0], [0], [0, 0, 1, 0], [], []>, transpose_lhs_hint = false} : vector<128x1024xf32>, vector<1x1024xf32>, vector<128x1xf32> -> vector<128x1xf32>
    %dot_general3A_180 = arith.constant dense<0.000000e+00> : vector<128x1xf32>
    %dot_general3A_181 = tpu.matmul %convert_element_type3A_172, %select_n3A, %dot_general3A_180 {dimension_numbers = #tpu.dot_dimension_numbers<[1], [1], [0], [0], [0, 0, 1, 0], [], []>, transpose_lhs_hint = false} : vector<128x1024xf32>, vector<1x1024xf32>, vector<128x1xf32> -> vector<128x1xf32>
    %dot_general3A_182 = arith.constant dense<0.000000e+00> : vector<128x1xf32>
    %dot_general3A_183 = tpu.matmul %convert_element_type3A_172, %get3A_48, %dot_general3A_182 {dimension_numbers = #tpu.dot_dimension_numbers<[1], [1], [0], [0], [0, 0, 1, 0], [], []>, transpose_lhs_hint = false} : vector<128x1024xf32>, vector<1x1024xf32>, vector<128x1xf32> -> vector<128x1xf32>
    %concatenate3A = tpu.concatenate %dot_general3A_173, %dot_general3A_175, %dot_general3A_177, %dot_general3A_179 in 1 : vector<128x1xf32>, vector<128x1xf32>, vector<128x1xf32>, vector<128x1xf32> -> vector<128x4xf32>
    %swap3A = arith.constant 0 : index
    %swap3A_184 = arith.constant 0 : index
    %swap3A_185 = arith.constant 0 : index
    %swap3A_186 = vector.load %arg5[%swap3A, %swap3A_184, %swap3A_185] : memref<1x128x4xf32, #tpu.memory_space<vmem>>, vector<1x128x4xf32>
    %swap3A_187 = vector.shape_cast %swap3A_186 : vector<1x128x4xf32> to vector<128x4xf32>
    %swap3A_188 = vector.shape_cast %concatenate3A : vector<128x4xf32> to vector<1x128x4xf32>
    tpu.vector_store %arg5[%swap3A, %swap3A_184, %swap3A_185], %swap3A_188 {strides = array<i32>} : memref<1x128x4xf32, #tpu.memory_space<vmem>>, vector<1x128x4xf32>,
    %swap3A_189 = arith.constant 0 : index
    %swap3A_190 = arith.constant 0 : index
    %swap3A_191 = arith.constant 0 : index
    %swap3A_192 = vector.load %arg6[%swap3A_189, %swap3A_190, %swap3A_191] : memref<1x128x1xf32, #tpu.memory_space<vmem>>, vector<1x128x1xf32>
    %swap3A_193 = vector.shape_cast %swap3A_192 : vector<1x128x1xf32> to vector<128x1xf32>
    %swap3A_194 = vector.shape_cast %dot_general3A_181 : vector<128x1xf32> to vector<1x128x1xf32>
    tpu.vector_store %arg6[%swap3A_189, %swap3A_190, %swap3A_191], %swap3A_194 {strides = array<i32>} : memref<1x128x1xf32, #tpu.memory_space<vmem>>, vector<1x128x1xf32>,
    %swap3A_195 = arith.constant 0 : index
    %swap3A_196 = arith.constant 0 : index
    %swap3A_197 = arith.constant 0 : index
    %swap3A_198 = vector.load %arg7[%swap3A_195, %swap3A_196, %swap3A_197] : memref<1x128x1xf32, #tpu.memory_space<vmem>>, vector<1x128x1xf32>
    %swap3A_199 = vector.shape_cast %swap3A_198 : vector<1x128x1xf32> to vector<128x1xf32>
    %swap3A_200 = vector.shape_cast %dot_general3A_183 : vector<128x1xf32> to vector<1x128x1xf32>
    tpu.vector_store %arg7[%swap3A_195, %swap3A_196, %swap3A_197], %swap3A_200 {strides = array<i32>} : memref<1x128x1xf32, #tpu.memory_space<vmem>>, vector<1x128x1xf32>,
    return
  }
  func.func @transform_0(%arg0: i32) -> (i32, i32, i32) {
    %c0_i32 = arith.constant 0 : i32
    %c0_i32_0 = arith.constant 0 : i32
    %c0_i32_1 = arith.constant 0 : i32
    return %arg0, %c0_i32, %c0_i32_0 : i32, i32, i32
  }
  func.func @transform_1(%arg0: i32) -> (i32, i32, i32) {
    %c0_i32 = arith.constant 0 : i32
    %c0_i32_0 = arith.constant 0 : i32
    %c0_i32_1 = arith.constant 0 : i32
    return %arg0, %c0_i32, %c0_i32_0 : i32, i32, i32
  }
  func.func @transform_2(%arg0: i32) -> (i32, i32, i32) {
    %c0_i32 = arith.constant 0 : i32
    %c0_i32_0 = arith.constant 0 : i32
    %c0_i32_1 = arith.constant 0 : i32
    return %arg0, %c0_i32, %c0_i32_0 : i32, i32, i32
  }
  func.func @transform_3(%arg0: i32) -> (i32, i32, i32) {
    %c0_i32 = arith.constant 0 : i32
    %c0_i32_0 = arith.constant 0 : i32
    %c0_i32_1 = arith.constant 0 : i32
    return %arg0, %c0_i32, %c0_i32_0 : i32, i32, i32
  }
  func.func @transform_4(%arg0: i32) -> (i32, i32, i32) {
    %c0_i32 = arith.constant 0 : i32
    %c0_i32_0 = arith.constant 0 : i32
    %c0_i32_1 = arith.constant 0 : i32
    return %arg0, %c0_i32, %c0_i32_0 : i32, i32, i32
  }
  func.func @transform_5(%arg0: i32) -> (i32, i32, i32) {
    %c0_i32 = arith.constant 0 : i32
    %c0_i32_0 = arith.constant 0 : i32
    %c0_i32_1 = arith.constant 0 : i32
    return %arg0, %c0_i32, %c0_i32_0 : i32, i32, i32
  }
  func.func @transform_6(%arg0: i32) -> (i32, i32, i32) {
    %c0_i32 = arith.constant 0 : i32
    %c0_i32_0 = arith.constant 0 : i32
    %c0_i32_1 = arith.constant 0 : i32
    return %arg0, %c0_i32, %c0_i32_0 : i32, i32, i32
  }
}

</mosaic_0001>

<sc_bundles>
// kernel: gather_offload_async_start.1
scs
__scs_entry_jumppad:
0x0: {  	(pc) =	sbr.rel $0x88, $3  }
0x1: {  	(tag) =	ssettag $0x0;
	lr =	simm.s32 $0x1  }
0x2: {  	[smem:$0x3F9E] =	sst lr;
	_ =	strace $0xD0000000  }
0x3: {  	_ = 	snop  }
0x4: {  	_ = 	snop  }
0x5: {  	_ = 	snop  }
0x6: {  	_ = 	snop  }
0x7: {  	_ = 	snop  }
__scs_overlays_trampoline_lowered:
0x8: {  	[smem:$0x3FAD] =	sst s0  }
0x9: {  	[smem:$0x3FAE] =	sst s1  }
0xa: {  	[smem:$0x3FAF] =	sst s2  }
0xb: {  	[smem:$0x3FB0] =	sst s3  }
0xc: {  	[smem:$0x3FB1] =	sst s4  }
0xd: {  	[smem:$0x3FB2] =	sst s5  }
0xe: {  	[smem:$0x3FB3] =	sst s6  }
0xf: {  	[smem:$0x3FB4] =	sst s7  }
0x10: {  	[smem:$0x3FB5] =	sst s8  }
0x11: {  	[smem:$0x3FB6] =	sst s9;
	s0 =	simm.s32 @!p0 $0x0  }
0x12: {  	s1 =	sld [smem:$0x3F9C];
	s0 =	simm.s32 @p0 $0x1  }
0x13: {  	[smem:$0x3FB7] =	sst s0;
	s0 =	simm.s32 @!p1 $0x0  }
0x14: {  	s2 =	sld [smem:$0x3F9B];
	s0 =	simm.s32 @p1 $0x1  }
0x15: {  	[smem:$0x3FB8] =	sst s0;
	s0 =	simm.s32 @!p2 $0x0  }
0x16: {  	s3 =	sld [smem:$0x3FDB];
	s0 =	simm.s32 @p2 $0x1  }
0x17: {  	s4 =	simm.s32 $0x1BF5;
	[smem:$0x3FBA] =	sst s0  }
0x18: {  	s0 =	sld [smem:$0x3F9D];
	_ =	swait.ge [sflag:s4], $0x0  }
0x19: {  	s7 =	sld [smem:$0x3F9E]  }
0x1a: {  	s8 =	sadd.s32 $0xFFFFE003, lr  }
0x1b: {  	s9 =	sadd.s32 $0xFFFFFEF7, lr;
	s5 =	simm.s32 $0xFFFFFFFF;
	p2 =	slt.u32 s8, $0xFFFFF086  }
0x1c: {  	p1 =	slt.u32 s9, $0xF7A;
	s5 =	simm.s32 @!p2 $0x0  }
0x1d: {  	s5 =	simm.s32 @p1 $0x1;
	p0 =	seq.s32 s7, s2  }
0x1e: {  	s7 =	smul.u32 @!p0 $0xF7A, s2;
	p2 =	seq.s32 @!p0 s5, $0x0  }
0x1f: {  	s9 =	smul.u32 $0xF7A, s1;
	s8 =	simm.s32 @!p0 $0x1BF5;
	p2 =	por !p2, p0  }
0x20: {  	[sflag:s8] =	ssyncset.s32 @!p0 $0xFFFFF086;
	s6 =	sadd.s32 @!p0 s3, s7;
	s7 =	simm.s32 @!p0 $0x108  }
0x21: {  	s3 =	sadd.s32 s3, s9;
	s6 =	sadd.s32 @!p0 $0x88, s6;
	s7 =	simm.s32 @p2 $0x1082  }
0x22: {  	[simem:s7], [sflag:s8] =	dma.local @!p0 [hbm:s6], $0xF7A  }
0x23: {  	s9 =	sor.u32 $0xD0000000, s2;
	s6 =	simm.s32 $0x108;
	_ =	swait.ge @!p0 [sflag:s8], $0x0  }
0x24: {  	s3 =	sadd.s32 $0x88, s3;
	s6 =	simm.s32 @!p1 $0x1082;
	[sflag:s4] =	ssyncset.s32 $0xFFFFF086  }
0x25: {  	[simem:s6], [sflag:s4] =	dma.local [hbm:s3], $0xF7A  }
0x26: {  	[smem:$0x3F9E] =	sst s1;
	(tag) =	ssettag s2;
	_ =	strace s9  }
0x27: {  	s1 =	sld [smem:$0x3FAE]  }
0x28: {  	s2 =	sld [smem:$0x3FAF]  }
0x29: {  	s4 =	sld [smem:$0x3FB1]  }
0x2a: {  	p0 =	seq.s32 s5, $0x0;
	s5 =	sld [smem:$0x3FB2]  }
0x2b: {  	s6 =	sld [smem:$0x3FB3]  }
0x2c: {  	s7 =	sld [smem:$0x3FB4]  }
0x2d: {  	s3 =	simm.s32 $0x108;
	s8 =	sld [smem:$0x3FB5]  }
0x2e: {  	s3 =	simm.s32 @!p0 $0x1082;
	s9 =	sld [smem:$0x3FB6]  }
0x2f: {  	lr =	sadd.s32 s0, s3;
	s0 =	sld [smem:$0x3FAD]  }
0x30: {  	s3 =	sld [smem:$0x3FB0]  }
0x31: {  	[smem:$0x3FB9] =	sst s10  }
0x32: {  	s10 =	sld [smem:$0x3FB7];
	_ =	sdelay $0x3  }
0x33: {  	p0 =	seq.s32 s10, $0x1;
	s10 =	sld [smem:$0x3FB9];
	_ =	sdelay $0x3  }
0x34: {  	[smem:$0x3FB9] =	sst s10  }
0x35: {  	s10 =	sld [smem:$0x3FB8];
	_ =	sdelay $0x3  }
0x36: {  	p1 =	seq.s32 s10, $0x1;
	s10 =	sld [smem:$0x3FB9];
	_ =	sdelay $0x3  }
0x37: {  	[smem:$0x3FB9] =	sst s10  }
0x38: {  	s10 =	sld [smem:$0x3FBA]  }
0x39: {  	_ = 	snop;
	(pc) =	sbr.ind lr, $3  }
0x3a: {  	_ = 	snop  }
0x3b: {  	_ = 	snop  }
0x3c: {  	p2 =	seq.s32 s10, $0x1;
	s10 =	sld [smem:$0x3FB9]  }
0x3d: {  	_ =	shalt  }
0x3e: {  	_ =	shalt  }
0x3f: {  	_ =	shalt  }
0x40: {  	_ =	shalt  }
0x41: {  	_ =	shalt  }
0x42: {  	_ =	shalt  }
0x43: {  	_ =	shalt  }
0x44: {  	_ =	shalt  }
0x45: {  	_ =	shalt  }
0x46: {  	_ =	shalt  }
0x47: {  	_ =	shalt  }
0x48: {  	_ =	shalt  }
0x49: {  	_ =	shalt  }
0x4a: {  	_ =	shalt  }
0x4b: {  	_ =	shalt  }
0x4c: {  	_ =	shalt  }
0x4d: {  	_ =	shalt  }
0x4e: {  	_ =	shalt  }
0x4f: {  	_ =	shalt  }
0x50: {  	_ =	shalt  }
0x51: {  	_ =	shalt  }
0x52: {  	_ =	shalt  }
0x53: {  	_ =	shalt  }
0x54: {  	_ =	shalt  }
0x55: {  	_ =	shalt  }
0x56: {  	_ =	shalt  }
0x57: {  	_ =	shalt  }
0x58: {  	_ =	shalt  }
0x59: {  	_ =	shalt  }
0x5a: {  	_ =	shalt  }
0x5b: {  	_ =	shalt  }
0x5c: {  	_ =	shalt  }
0x5d: {  	_ =	shalt  }
0x5e: {  	_ =	shalt  }
0x5f: {  	_ =	shalt  }
0x60: {  	_ =	shalt  }
0x61: {  	_ =	shalt  }
0x62: {  	_ =	shalt  }
0x63: {  	_ =	shalt  }
0x64: {  	_ =	shalt  }
0x65: {  	_ =	shalt  }
0x66: {  	_ =	shalt  }
0x67: {  	_ =	shalt  }
0x68: {  	_ =	shalt  }
0x69: {  	_ =	shalt  }
0x6a: {  	_ =	shalt  }
0x6b: {  	_ =	shalt  }
0x6c: {  	_ =	shalt  }
0x6d: {  	_ =	shalt  }
0x6e: {  	_ =	shalt  }
0x6f: {  	_ =	shalt  }
0x70: {  	_ =	shalt  }
0x71: {  	_ =	shalt  }
0x72: {  	_ =	shalt  }
0x73: {  	_ =	shalt  }
0x74: {  	_ =	shalt  }
0x75: {  	_ =	shalt  }
0x76: {  	_ =	shalt  }
0x77: {  	_ =	shalt  }
0x78: {  	_ =	shalt  }
0x79: {  	_ =	shalt  }
0x7a: {  	_ =	shalt  }
0x7b: {  	_ =	shalt  }
0x7c: {  	_ =	shalt  }
0x7d: {  	_ =	shalt  }
0x7e: {  	_ =	shalt  }
0x7f: {  	_ =	shalt  }
0x80: {  	_ =	shalt  }
0x81: {  	_ =	shalt  }
0x82: {  	_ =	shalt  }
0x83: {  	_ =	shalt  }
0x84: {  	_ =	shalt  }
0x85: {  	_ =	shalt  }
0x86: {  	_ =	shalt  }
0x87: {  	_ =	shalt  }
.Lfunc_end0:
.L_simem_size_0:
called_computation.2_lowered:
.L_overlay_start_0:
0x88: {  	s2 =	sld [smem:$0x3FD9]  }
0x89: {  	s3 =	sld [smem:$0x3FFE];
	_ =	sdelay $0x1  }
0x8a: {  	s1 =	srdreg.scid  }
0x8b: {  	s0 =	sand.u32 $0x1, s1  }
0x8c: {  	s17 =	sshll.u32 s0, $0xA;
	s2 =	sadd.s32 s3, s2  }
0x8d: {  	s2 =	sadd.s32 s2, s17  }
0x8e: {  	[smem:$0x3FC5] =	sst s2  }
0x8f: {  	_ = 	snop  }
0x90: {  	(tm) =	ssettm $0x1  }
0x91: {  	s18 =	sld [smem:$0x3FFB];
	_ =	sdelay $0x3  }
0x92: {  	_ =	strace s18  }
0x93: {  	s2 =	sld [smem:$0x3FFC];
	_ =	sdelay $0x3  }
0x94: {  	_ =	strace s2  }
0x95: {  	s2 =	sld [smem:$0x3FFD];
	_ =	sdelay $0x3  }
0x96: {  	_ =	strace s2  }
0x97: {  	_ =	strace $0x8FFFFFFF  }
0x98: {  	s19 =	sld [smem:$0x3FDB];
	_ =	sdelay $0x1  }
0x99: {  	s20 =	simm.s32 $_scs_section_size  }
0x9a: {  	s4 =	simm.s32 $_size__tile_overlayer_lowered;
	s5 =	simm.s32 $_tile_overlayer_lowered  }
0x9b: {  	s6 =	simm.s32 $0x1BFF;
	s21 =	sshll.u32 s5, $0x1;
	s3 =	sadd.s32 s20, s19  }
0x9c: {  	s22 =	simm.s32 $0x0;
	s4 =	sshll.u32 s4, $0x1;
	s5 =	sadd.s32 s21, s3  }
0x9d: {  	[timem:s22], [sflag:s6] =	dma.local [hbm:s5], s4  }
0x9e: {  	_ =	swait.ge [sflag:s6], s4  }
0x9f: {  	s4 =	ssub.s32 $0x0, s4;
	[sflag:s6] =	ssyncset.done $0x0  }
0xa0: {  	[sflag:s6] =	ssyncadd.s32 s4;
	_ =	sdelay $0x1  }
0xa1: {  	s23 =	simm.s32 $0x1B8B  }
0xa2: {  	_ =	swait.ge [sflag:s23], $0x1  }
0xa3: {  	[sflag:s23] =	ssyncset.done $0x0  }
0xa4: {  	[sflag:s23] =	ssyncadd.s32 $0xFFFFFFFF  }
0xa5: {  	s4 =	sld [smem:$0x0]  }
0xa6: {  	s5 =	sand.u32 $0xFFFFFFFE, s1  }
0xa7: {  	p0 =	sne.s32 s1, s5  }
0xa8: {  	s5 =	sshll.u32 @p0 s5, $0xE  }
0xa9: {  	s5 =	sadd.s32 @p0 $0x11B8D, s5;
	s6 =	sshll.u32 @p0 s4, $0x11  }
0xaa: {  	s5 =	sor.u32 @p0 s6, s5  }
0xab: {  	[sflag:s5] =	ssyncadd.remote.s32 @p0 $0x1;
	_ =	sdelay $0x1  }
0xac: {  	s5 =	simm.s32 @p0 $0x1B8D  }
0xad: {  	_ =	swait.eq @p0 [sflag:s5], $0x1  }
0xae: {  	[sflag:s5] =	ssyncadd.s32 @p0 $0xFFFFFFFF  }
0xaf: {  	s6 =	sshll.u32 @!p0 s1, $0xE  }
0xb0: {  	s6 =	sor.u32 @!p0 $0x4000, s6;
	s5 =	simm.s32 @!p0 $0x1B8D  }
0xb1: {  	s4 =	sshll.u32 @!p0 s4, $0x11;
	s6 =	sadd.s32 @!p0 $0x11B8D, s6;
	_ =	swait.eq @!p0 [sflag:s5], $0x1  }
0xb2: {  	s4 =	sor.u32 @!p0 s4, s6;
	[sflag:s5] =	ssyncadd.s32 @!p0 $0xFFFFFFFF  }
0xb3: {  	s25 =	simm.s32 $0x1B8E;
	s24 =	sld [smem:$0x3FFE];
	[sflag:s4] =	ssyncadd.remote.s32 @!p0 $0x1  }
0xb4: {  	s26 =	simm.s32 $execute0_lowered;
	[smem:$0x3FD2] =	sst s25  }
0xb5: {  	s5 =	sshll.u32 s26, $0x1;
	_ =	strace $0x8000004C;
	[dreg:$0x1] =	wrdreg $0xFFFFFFFF  }
0xb6: {  	s28 =	simm.s32 $_size_execute0_lowered;
	s3 =	sadd.s32 s3, s5;
	[dreg:$0x0] =	wrdreg $0x0  }
0xb7: {  	s5 =	sshll.u32 s28, $0x1;
	[dreg:$0x2] =	wrdreg s3  }
0xb8: {  	[dreg:$0x3] =	wrdreg s5  }
0xb9: {  	[dreg:$0x4] =	wrdreg $0xC0  }
0xba: {  	_ =	task [dreg:s22], $0x5FFFF  }
0xbb: {  	[dreg:$0x1] =	wrdreg $0xFFFFFFFF  }
0xbc: {  	[dreg:$0x0] =	wrdreg $0x60  }
0xbd: {  	[dreg:$0x2] =	wrdreg s24  }
0xbe: {  	[dreg:$0x3] =	wrdreg $0xA  }
0xbf: {  	_ =	task.clear_ibuf [dreg:s22], $0x4FFFF;
	_ =	strace $0x9000004C  }
0xc0: {  	s29 =	simm.s32 $0xA;
	_ =	strace $0x8000004E  }
0xc1: {  	_ =	swait.ge [sflag:s29], $0x1  }
0xc2: {  	[sflag:s29] =	ssyncadd.s32 $0xFFFFFFFF  }
0xc3: {  	_ =	strace $0x9000004E  }
0xc4: {  	_ =	sfence  }
0xc5: {  	s30 =	sld [smem:$0x0];
	_ =	sdelay $0x2  }
0xc6: {  	s31 =	sshll.u32 s1, $0xD;
	s1 =	sshrl.u32 s1, $0x2  }
0xc7: {  	s4 =	sand.u32 $0x4000, s31;
	s1 =	sadd.s32 s1, s30  }
0xc8: {  	s0 =	sor.u32 s4, s0;
	s1 =	sshll.u32 s1, $0x11  }
0xc9: {  	s0 =	sor.u32 s1, s0  }
0xca: {  	s0 =	sadd.s32 $0x8F2B, s0  }
0xcb: {  	[sflag:s0] =	ssyncadd.remote.s32 $0x1  }
0xcc: {  	_ =	sfence.sel $0xFFFF  }
0xcd: {  	[dreg:$0x0] =	wrdreg $0xFFFFFFFF;
	(pc) =	sbr.abs _section_cstart, $3  }
0xce: {  	[dreg:$0x1] =	wrdreg $0xFFFFFFFF  }
0xcf: {  	_ =	task.clear_ibuf [dreg:s22], $0x2FFFF;
	_ =	strace $0x9FFFFFFF  }
0xd0: {  	(tm) =	ssettm $0x7FFFFFFF  }
0xd1: {  	_ =	shalt  }
tec
execute0_lowered:
.L_overlay_start_1:
0x0: {  	(tag) =	ssettag $0x1  }
0x1: {  	s1 =	srdreg.scid  }
0x2: {  	s0 =	stileid.u32;
	s8 =	rddreg [dreg:$0x0]  }
0x3: {  	s4 =	simm.s32 $0x1;
	s5 =	simm.s32 $0x2;
	s10 =	simm.s32 $0x0  }
0x4: {  	s12 =	simm.s32 $0x0;
	s11 =	simm.s32 $0x0;
	s1 =	sshll.u32 s1, $0x7  }
0x5: {  	s2 =	sshll.u32 s0, $0x8;
	s3 =	sand.u32 $0x80, s1;
	s1 =	rddreg [dreg:$0x1]  }
0x6: {  	_ =	strace $0x8000004D;
	s2 =	sor.u32 s2, s3;
	s3 =	sadd.s32 $0xF3A000, s8  }
0x7: {  	[sflag:s4] =	ssyncpa.u1 $0x0;
	s6 =	ssub.s32 $0x800, s2;
	s7 =	sshrl.u32 s2, $0x3  }
.Ltmp0:
0x8: {  	[sflag:s5] =	ssyncpa.u1 $0x0;
	p0 =	sgt.s32 s6, $0x0;
	(pc) =	sbr.rel .LBB2_1-.Ltmp0, $4  }
0x9: {  	s9 =	sadd.s32 s7, s8;
	s7 =	simm.s32 $0x1;
	s6 =	simm.s32 @!p0 $0x0  }
0xa: {  	s8 =	sadd.s32 $0x8000, s8;
	s31 =	sand.u32 $0xF80, s6;
	s6 =	simm.s32 $0x3  }
0xb: {  	s9 =	sadd.s32 $0x7E00, s9;
	p0 =	sne.s32 s31, $0x0;
	[sflag:s6] =	ssyncpa.u1 $0x0  }
0xc: {  	vm0 =	vmmov $0xffff;
	v0 =	vimm.s32 $0x0;
	v1 =	vlaneseq.u32;
	s7 =	simm.s32 @!p0 $0x0;
	s6 =	simm.s32 @!p0 $0x2;
	p0 =	por $0x0, $0x0  }
.LBB2_4:
0xd: {  	_ =	sdelay $0x3  }
0xe: {  	[tilespmem:s20], [sflag:$0x1] =	stream.indirect_vreg.gather [hbm4b:s3+s10], $0x1, v2, vm0, $0x4038;
	[tilespmem:$0x500] =	vst v63  }
0xf: {  	s14 =	sadd.s32 s16, s14  }
0x10: {  	v2 =	vld.msk [tilespmem:s14+$0x0 ss:$0x1], $0xffff;
	_ =	sdelay $0x4  }
0x11: {  	v3 =	vshrl.u32 v2, $0x1  }
0x12: {  	v4 =	vand.u32 $0x1, v2;
	vm1 =	veq.s32 v2, $0x80000000;
	v2 =	vand.u32 $0x3FFFF, v3  }
0x13: {  	p1 =	sgt.s32 s17, $0x0;
	vm2 =	veq.s32 v4, $0x1;
	v2 =	vsel vm1, $0xFFFFFFFF, v2  }
0x14: {  	s17 =	simm.s32 @!p1 $0x0;
	v3 =	vsel vm2, $0x85A00, v0;
	v61 =	vshll.u32 v2, $0x2  }
0x15: {  	s26 =	smin.u32 s17, $0x10;
	v3 =	vsel vm1, $0xFFF7A600, v3;
	v4 =	vand.u32 $0xFFFFFE00, v61  }
0x16: {  	v62 =	vmov s26;
	v2 =	vand.u32 $0x7F, v2;
	v3 =	vadd.s32 v3, v4  }
0x17: {  	vm1 =	vgt.u32 v62, v1;
	v2 =	vor.u32 v2, v3  }
0x18: {  	v3 =	vnsel vm1, $0x7FFFFFFF, v2;
	_ =	sdelay $0x1  }
0x19: {  	v63 =	vor.u32 $0x80, v2  }
0x1a: {  	(ifvalue) =	ssetifvalue $0x7FFFFFFF;
	v4 =	vnsel vm1, $0x7FFFFFFF, v63  }
0x1b: {  	s28 =	sadd.s32 s16, s15;
	(ifvalue) =	ssetifvalue $0x7FFFFFFF  }
0x1c: {  	v5 =	vor.u32 $0x100, v2;
	[tilespmem:s28], [sflag:$0x1] =	stream.indirect_vreg.gather [hbm4b:s3+s10], $0x1, v3, vm0, $0x4038;
	[tilespmem:$0x500] =	vst v63  }
0x1d: {  	(ifvalue) =	ssetifvalue $0x7FFFFFFF;
	v3 =	vnsel vm1, $0x7FFFFFFF, v5  }
0x1e: {  	s15 =	sadd.s32 $0x80, s28;
	(ifvalue) =	ssetifvalue $0x7FFFFFFF  }
0x1f: {  	v2 =	vor.u32 $0x180, v2;
	[tilespmem:s15], [sflag:$0x1] =	stream.indirect_vreg.gather [hbm4b:s3+s10], $0x1, v4, vm0, $0x4038;
	[tilespmem:$0x500] =	vst v63  }
0x20: {  	v2 =	vnsel vm1, $0x7FFFFFFF, v2;
	(ifvalue) =	ssetifvalue $0x7FFFFFFF  }
0x21: {  	s29 =	sadd.s32 $0x100, s28;
	(ifvalue) =	ssetifvalue $0x7FFFFFFF  }
0x22: {  	[tilespmem:s29], [sflag:$0x1] =	stream.indirect_vreg.gather [hbm4b:s3+s10], $0x1, v3, vm0, $0x4038;
	[tilespmem:$0x500] =	vst v63  }
0x23: {  	(ifvalue) =	ssetifvalue $0x7FFFFFFF  }
0x24: {  	s30 =	sshll.u32 s12, $0x2;
	s14 =	sadd.s32 $0x180, s28;
	(ifvalue) =	ssetifvalue $0x7FFFFFFF  }
0x25: {  	[tilespmem:s14], [sflag:$0x1] =	stream.indirect_vreg.gather [hbm4b:s3+s10], $0x1, v2, vm0, $0x4038;
	[tilespmem:$0x500] =	vst v63  }
0x26: {  	s31 =	sand.u32 $0x78, s12;
	s14 =	sand.u32 $0x7FFFFE00, s30  }
0x27: {  	_ =	swait.ge [sflag:s4], $0x200;
	s12 =	sor.u32 s31, s14  }
0x28: {  	[sflag:s4] =	ssyncset.done $0x0;
	s12 =	sshrl.u32 s12, $0x3  }
0x29: {  	[sflag:s4] =	ssyncadd.s32 $0xFFFFFE00;
	s12 =	sadd.s32 s8, s12  }
0x2a: {  	[hbm:s12] =	stream.linear.scatter [tilespmem:s13], [sflag:$0x3], $0x200, $0x38;
	[tilespmem:$0x500] =	vst v63  }
.LBB2_5:
0x2b: {  	p1 =	slt.u32 s11, $0x2;
	s11 =	sadd.s32 $0x1, s11  }
0x2c: {  	p2 =	sne.s32 s11, s6  }
.Ltmp1:
0x2d: {  	_ = 	snop;
	(pc) =	sbr.rel @!p2 .LBB2_6-.Ltmp1, $4  }
0x2e: {  	s12 =	simm.s32 @!p1 $0x3  }
0x2f: {  	_ =	swait.ge @!p1 [sflag:s12], $0x200  }
0x30: {  	[sflag:s12] =	ssyncset.done @!p1 $0x0  }
0x31: {  	p0 =	por !p0, !p0;
	[sflag:s12] =	ssyncadd.s32 @!p1 $0xFFFFFE00;
	s12 =	smov.u32 s2  }
.LBB2_1:
0x32: {  	p1 =	sge.u32 s11, s7  }
0x33: {  	s31 =	sadd.s32 $0xFFFFFFFF, s11;
	s13 =	simm.s32 @!p1 $0x0;
	s14 =	simm.s32 @!p1 $0x80  }
0x34: {  	[tilespmem:s14], [sflag:$0x2] =	stream.linear.gather @!p1 [hbm4b:s9+s13], $0x80, $0x38;
	[tilespmem:$0x500] =	vst v63  }
0x35: {  	p1 =	sge.u32 s31, s7  }
.Ltmp2:
0x36: {  	_ = 	snop;
	(pc) =	sbr.rel @p1 .LBB2_5-.Ltmp2, $1  }
0x37: {  	_ =	sdelay $0x3  }
0x38: {  	s13 =	simm.s32 $0x1  }
0x39: {  	_ =	swait.ge [sflag:s5], $0x80;
	s13 =	simm.s32 @!p0 $0x0  }
0x3a: {  	[sflag:s5] =	ssyncset.done $0x0;
	s14 =	sshll.u32 s13, $0x7  }
0x3b: {  	[sflag:s5] =	ssyncadd.s32 $0xFFFFFF80;
	s15 =	sadd.s32 $0x0, s14  }
0x3c: {  	v2 =	vld.msk [tilespmem:s15+$0x0 ss:$0x1], $0xffff;
	_ =	sdelay $0x3  }
0x3d: {  	s17 =	ssub.s32 $0x7D0, s12  }
0x3e: {  	p1 =	slt.s32 s17, $0x80;
	v3 =	vshrl.u32 v2, $0x1  }
0x3f: {  	s17 =	simm.s32 @!p1 $0x80;
	v4 =	vand.u32 $0x1, v2;
	vm1 =	veq.s32 v2, $0x80000000;
	v2 =	vand.u32 $0x3FFFF, v3  }
0x40: {  	p1 =	sgt.s32 s17, $0x0;
	s15 =	smov.u32 s17;
	vm2 =	veq.s32 v4, $0x1;
	v2 =	vsel vm1, $0xFFFFFFFF, v2  }
0x41: {  	s15 =	simm.s32 @!p1 $0x0;
	v3 =	vsel vm2, $0x85A00, v0;
	v61 =	vshll.u32 v2, $0x2  }
0x42: {  	s15 =	smin.u32 s15, $0x10;
	v3 =	vsel vm1, $0xFFF7A600, v3;
	v4 =	vand.u32 $0xFFFFFE00, v61  }
0x43: {  	v62 =	vmov s15;
	v2 =	vand.u32 $0x7F, v2;
	v3 =	vadd.s32 v3, v4  }
0x44: {  	vm1 =	vgt.u32 v62, v1;
	v2 =	vor.u32 v2, v3  }
0x45: {  	v3 =	vnsel vm1, $0x7FFFFFFF, v2;
	_ =	sdelay $0x1  }
0x46: {  	s13 =	sshll.u32 s13, $0x9;
	v63 =	vor.u32 $0x80, v2  }
0x47: {  	(ifvalue) =	ssetifvalue $0x7FFFFFFF;
	s15 =	sor.u32 $0x100, s13;
	v4 =	vnsel vm1, $0x7FFFFFFF, v63  }
0x48: {  	(ifvalue) =	ssetifvalue $0x7FFFFFFF;
	s18 =	sadd.s32 $0x0, s15  }
0x49: {  	v5 =	vor.u32 $0x100, v2;
	[tilespmem:s18], [sflag:$0x1] =	stream.indirect_vreg.gather [hbm4b:s3+s10], $0x1, v3, vm0, $0x4038;
	[tilespmem:$0x500] =	vst v63  }
0x4a: {  	(ifvalue) =	ssetifvalue $0x7FFFFFFF;
	v3 =	vnsel vm1, $0x7FFFFFFF, v5  }
0x4b: {  	s16 =	sadd.s32 $0x80, s18;
	(ifvalue) =	ssetifvalue $0x7FFFFFFF  }
0x4c: {  	v2 =	vor.u32 $0x180, v2;
	[tilespmem:s16], [sflag:$0x1] =	stream.indirect_vreg.gather [hbm4b:s3+s10], $0x1, v4, vm0, $0x4038;
	[tilespmem:$0x500] =	vst v63  }
0x4d: {  	s30 =	sshll.u32 s11, $0x9;
	s19 =	simm.s32 $0x80;
	v2 =	vnsel vm1, $0x7FFFFFFF, v2;
	(ifvalue) =	ssetifvalue $0x7FFFFFFF  }
0x4e: {  	s13 =	sand.u32 $0x200, s30;
	s31 =	sadd.s32 $0x100, s18;
	(ifvalue) =	ssetifvalue $0x7FFFFFFF  }
0x4f: {  	[tilespmem:s31], [sflag:$0x1] =	stream.indirect_vreg.gather [hbm4b:s3+s10], $0x1, v3, vm0, $0x4038;
	[tilespmem:$0x500] =	vst v63  }
0x50: {  	s17 =	sadd.s32 $0xFFFFFFF0, s17;
	s13 =	sor.u32 $0x100, s13;
	(ifvalue) =	ssetifvalue $0x7FFFFFFF  }
0x51: {  	s20 =	sadd.s32 $0x180, s18;
	s16 =	simm.s32 $0x10;
	(ifvalue) =	ssetifvalue $0x7FFFFFFF  }
.LBB2_3:
0x52: {  	[tilespmem:s20], [sflag:$0x1] =	stream.indirect_vreg.gather [hbm4b:s3+s10], $0x1, v2, vm0, $0x4038;
	[tilespmem:$0x500] =	vst v63  }
0x53: {  	s18 =	smov.u32 s19  }
0x54: {  	s21 =	sadd.s32 s16, s14;
	s20 =	sshra.s32 s18, $0x2;
	s18 =	sadd.s32 $0x40, s19  }
0x55: {  	p1 =	sne.s32 s19, $0x1C0;
	v2 =	vld.msk [tilespmem:s21+$0x0 ss:$0x1], $0xffff  }
0x56: {  	(ifvalue) =	ssetifvalue $0x7FFFFFFF;
	_ =	sdelay $0x4  }
0x57: {  	v3 =	vshrl.u32 v2, $0x1;
	v4 =	vand.u32 $0x1, v2  }
0x58: {  	vm1 =	veq.s32 v2, $0x80000000;
	v2 =	vand.u32 $0x3FFFF, v3;
	vm2 =	veq.s32 v4, $0x1  }
0x59: {  	p2 =	sgt.s32 s17, $0x0;
	s19 =	smov.u32 s17;
	v2 =	vsel vm1, $0xFFFFFFFF, v2;
	v3 =	vsel vm2, $0x85A00, v0  }
0x5a: {  	s19 =	simm.s32 @!p2 $0x0;
	v3 =	vsel vm1, $0xFFF7A600, v3;
	v4 =	vshll.u32 v2, $0x2  }
0x5b: {  	s19 =	smin.u32 s19, $0x10;
	v4 =	vand.u32 $0xFFFFFE00, v4  }
0x5c: {  	v2 =	vand.u32 $0x7F, v2;
	v3 =	vadd.s32 v3, v4;
	v4 =	vmov s19  }
0x5d: {  	v2 =	vor.u32 v2, v3;
	vm1 =	vgt.u32 v4, v1  }
0x5e: {  	v3 =	vnsel vm1, $0x7FFFFFFF, v2;
	v4 =	vor.u32 $0x80, v2;
	v5 =	vor.u32 $0x100, v2  }
0x5f: {  	v2 =	vor.u32 $0x180, v2;
	_ =	sdelay $0x1  }
0x60: {  	v4 =	vnsel vm1, $0x7FFFFFFF, v4  }
0x61: {  	s19 =	sadd.s32 s16, s15;
	s16 =	smov.u32 s20;
	(ifvalue) =	ssetifvalue $0x7FFFFFFF  }
0x62: {  	[tilespmem:s19], [sflag:$0x1] =	stream.indirect_vreg.gather [hbm4b:s3+s10], $0x1, v3, vm0, $0x4038;
	[tilespmem:$0x500] =	vst v63  }
0x63: {  	v3 =	vnsel vm1, $0x7FFFFFFF, v5;
	(ifvalue) =	ssetifvalue $0x7FFFFFFF  }
0x64: {  	s20 =	sadd.s32 $0x80, s19;
	(ifvalue) =	ssetifvalue $0x7FFFFFFF  }
0x65: {  	[tilespmem:s20], [sflag:$0x1] =	stream.indirect_vreg.gather [hbm4b:s3+s10], $0x1, v4, vm0, $0x4038;
	[tilespmem:$0x500] =	vst v63  }
.Ltmp3:
0x66: {  	v2 =	vnsel vm1, $0x7FFFFFFF, v2;
	(ifvalue) =	ssetifvalue $0x7FFFFFFF;
	(pc) =	sbr.rel @p1 .LBB2_3-.Ltmp3, $4  }
0x67: {  	s20 =	sadd.s32 $0x100, s19;
	(ifvalue) =	ssetifvalue $0x7FFFFFFF  }
0x68: {  	[tilespmem:s20], [sflag:$0x1] =	stream.indirect_vreg.gather [hbm4b:s3+s10], $0x1, v3, vm0, $0x4038;
	[tilespmem:$0x500] =	vst v63  }
0x69: {  	s17 =	sadd.s32 $0xFFFFFFF0, s17;
	(ifvalue) =	ssetifvalue $0x7FFFFFFF  }
0x6a: {  	s20 =	sadd.s32 $0x180, s19;
	s19 =	smov.u32 s18;
	(ifvalue) =	ssetifvalue $0x7FFFFFFF  }
.Ltmp4:
0x6b: {  	_ = 	snop;
	(pc) =	sbr.rel .LBB2_4-.Ltmp4, $1  }
0x6c: {  	_ =	sdelay $0x3  }
.LBB2_6:
0x6d: {  	_ =	sfence.sel $0x180000  }
0x6e: {  	s2 =	simm.s32 $0x2;
	[bflag:$0x0] =	sbarrier.arrive $0xFFFF  }
0x6f: {  	s30 =	simm.s32 $0x3;
	[sflag:s2] =	ssyncpa.u1 $0x1  }
0x70: {  	s31 =	simm.s32 $0x1;
	[sflag:s30] =	ssyncpa.u1 $0x1  }
0x71: {  	[sflag:s31] =	ssyncpa.u1 $0x1  }
0x72: {  	p0 =	sne.s32 s0, $0x0;
	_ =	strace $0x9000004D  }
0x73: {  	s0 =	sadd.s32 @!p0 $0x100000, s1;
	[bflag:$0x2] =	sbarrier.arrive $0xFFFF  }
0x74: {  	[sflag:s0] =	ssyncadd.tile.s32 @!p0 $0x1;
	_ =	shalt  }
.Lfunc_end2:
_tile_overlayer_lowered:
.L_overlay_start_2:
0x75: {  	(tag) =	ssettag $0x2  }
0x76: {  	s0 =	rddreg [dreg:$0x0];
	s2 =	stileid.u32  }
0x77: {  	s1 =	rddreg [dreg:$0x1];
	p0 =	sne.s32 s2, $0x0  }
0x78: {  	s3 =	rddreg [dreg:$0x2];
	[bflag:$0x3] =	sbarrier.arrive $0xFFFF;
	s2 =	simm.s32 @!p0 $0x1C01  }
0x79: {  	[timem:s3], [sflag:s2] =	dma.local @!p0 [hbm:s0], s1  }
0x7a: {  	s0 =	simm.s32 @!p0 $0x1  }
0x7b: {  	_ =	swait.ge @!p0 [sflag:s0], s1  }
0x7c: {  	s1 =	ssub.s32 @!p0 $0x0, s1;
	[sflag:s0] =	ssyncset.done @!p0 $0x0  }
0x7d: {  	[sflag:s0] =	ssyncadd.s32 @!p0 s1  }
0x7e: {  	[bflag:$0x3] =	sbarrier.arrive $0xFFFF  }
0x7f: {  	_ =	shalt  }

// kernel: gather_offload_async_start
scs
__scs_entry_jumppad:
0x0: {  	(pc) =	sbr.rel $0x88, $3  }
0x1: {  	(tag) =	ssettag $0x0;
	lr =	simm.s32 $0x1  }
0x2: {  	[smem:$0x3F9E] =	sst lr;
	_ =	strace $0xD0000000  }
0x3: {  	_ = 	snop  }
0x4: {  	_ = 	snop  }
0x5: {  	_ = 	snop  }
0x6: {  	_ = 	snop  }
0x7: {  	_ = 	snop  }
__scs_overlays_trampoline_lowered:
0x8: {  	[smem:$0x3FAD] =	sst s0  }
0x9: {  	[smem:$0x3FAE] =	sst s1  }
0xa: {  	[smem:$0x3FAF] =	sst s2  }
0xb: {  	[smem:$0x3FB0] =	sst s3  }
0xc: {  	[smem:$0x3FB1] =	sst s4  }
0xd: {  	[smem:$0x3FB2] =	sst s5  }
0xe: {  	[smem:$0x3FB3] =	sst s6  }
0xf: {  	[smem:$0x3FB4] =	sst s7  }
0x10: {  	[smem:$0x3FB5] =	sst s8  }
0x11: {  	[smem:$0x3FB6] =	sst s9;
	s0 =	simm.s32 @!p0 $0x0  }
0x12: {  	s1 =	sld [smem:$0x3F9C];
	s0 =	simm.s32 @p0 $0x1  }
0x13: {  	[smem:$0x3FB7] =	sst s0;
	s0 =	simm.s32 @!p1 $0x0  }
0x14: {  	s2 =	sld [smem:$0x3F9B];
	s0 =	simm.s32 @p1 $0x1  }
0x15: {  	[smem:$0x3FB8] =	sst s0;
	s0 =	simm.s32 @!p2 $0x0  }
0x16: {  	s3 =	sld [smem:$0x3FDB];
	s0 =	simm.s32 @p2 $0x1  }
0x17: {  	s4 =	simm.s32 $0x1BF5;
	[smem:$0x3FBA] =	sst s0  }
0x18: {  	s0 =	sld [smem:$0x3F9D];
	_ =	swait.ge [sflag:s4], $0x0  }
0x19: {  	s7 =	sld [smem:$0x3F9E]  }
0x1a: {  	s8 =	sadd.s32 $0xFFFFE003, lr  }
0x1b: {  	s9 =	sadd.s32 $0xFFFFFEF7, lr;
	s5 =	simm.s32 $0xFFFFFFFF;
	p2 =	slt.u32 s8, $0xFFFFF086  }
0x1c: {  	p1 =	slt.u32 s9, $0xF7A;
	s5 =	simm.s32 @!p2 $0x0  }
0x1d: {  	s5 =	simm.s32 @p1 $0x1;
	p0 =	seq.s32 s7, s2  }
0x1e: {  	s7 =	smul.u32 @!p0 $0xF7A, s2;
	p2 =	seq.s32 @!p0 s5, $0x0  }
0x1f: {  	s9 =	smul.u32 $0xF7A, s1;
	s8 =	simm.s32 @!p0 $0x1BF5;
	p2 =	por !p2, p0  }
0x20: {  	[sflag:s8] =	ssyncset.s32 @!p0 $0xFFFFF086;
	s6 =	sadd.s32 @!p0 s3, s7;
	s7 =	simm.s32 @!p0 $0x108  }
0x21: {  	s3 =	sadd.s32 s3, s9;
	s6 =	sadd.s32 @!p0 $0x88, s6;
	s7 =	simm.s32 @p2 $0x1082  }
0x22: {  	[simem:s7], [sflag:s8] =	dma.local @!p0 [hbm:s6], $0xF7A  }
0x23: {  	s9 =	sor.u32 $0xD0000000, s2;
	s6 =	simm.s32 $0x108;
	_ =	swait.ge @!p0 [sflag:s8], $0x0  }
0x24: {  	s3 =	sadd.s32 $0x88, s3;
	s6 =	simm.s32 @!p1 $0x1082;
	[sflag:s4] =	ssyncset.s32 $0xFFFFF086  }
0x25: {  	[simem:s6], [sflag:s4] =	dma.local [hbm:s3], $0xF7A  }
0x26: {  	[smem:$0x3F9E] =	sst s1;
	(tag) =	ssettag s2;
	_ =	strace s9  }
0x27: {  	s1 =	sld [smem:$0x3FAE]  }
0x28: {  	s2 =	sld [smem:$0x3FAF]  }
0x29: {  	s4 =	sld [smem:$0x3FB1]  }
0x2a: {  	p0 =	seq.s32 s5, $0x0;
	s5 =	sld [smem:$0x3FB2]  }
0x2b: {  	s6 =	sld [smem:$0x3FB3]  }
0x2c: {  	s7 =	sld [smem:$0x3FB4]  }
0x2d: {  	s3 =	simm.s32 $0x108;
	s8 =	sld [smem:$0x3FB5]  }
0x2e: {  	s3 =	simm.s32 @!p0 $0x1082;
	s9 =	sld [smem:$0x3FB6]  }
0x2f: {  	lr =	sadd.s32 s0, s3;
	s0 =	sld [smem:$0x3FAD]  }
0x30: {  	s3 =	sld [smem:$0x3FB0]  }
0x31: {  	[smem:$0x3FB9] =	sst s10  }
0x32: {  	s10 =	sld [smem:$0x3FB7];
	_ =	sdelay $0x3  }
0x33: {  	p0 =	seq.s32 s10, $0x1;
	s10 =	sld [smem:$0x3FB9];
	_ =	sdelay $0x3  }
0x34: {  	[smem:$0x3FB9] =	sst s10  }
0x35: {  	s10 =	sld [smem:$0x3FB8];
	_ =	sdelay $0x3  }
0x36: {  	p1 =	seq.s32 s10, $0x1;
	s10 =	sld [smem:$0x3FB9];
	_ =	sdelay $0x3  }
0x37: {  	[smem:$0x3FB9] =	sst s10  }
0x38: {  	s10 =	sld [smem:$0x3FBA]  }
0x39: {  	_ = 	snop;
	(pc) =	sbr.ind lr, $3  }
0x3a: {  	_ = 	snop  }
0x3b: {  	_ = 	snop  }
0x3c: {  	p2 =	seq.s32 s10, $0x1;
	s10 =	sld [smem:$0x3FB9]  }
0x3d: {  	_ =	shalt  }
0x3e: {  	_ =	shalt  }
0x3f: {  	_ =	shalt  }
0x40: {  	_ =	shalt  }
0x41: {  	_ =	shalt  }
0x42: {  	_ =	shalt  }
0x43: {  	_ =	shalt  }
0x44: {  	_ =	shalt  }
0x45: {  	_ =	shalt  }
0x46: {  	_ =	shalt  }
0x47: {  	_ =	shalt  }
0x48: {  	_ =	shalt  }
0x49: {  	_ =	shalt  }
0x4a: {  	_ =	shalt  }
0x4b: {  	_ =	shalt  }
0x4c: {  	_ =	shalt  }
0x4d: {  	_ =	shalt  }
0x4e: {  	_ =	shalt  }
0x4f: {  	_ =	shalt  }
0x50: {  	_ =	shalt  }
0x51: {  	_ =	shalt  }
0x52: {  	_ =	shalt  }
0x53: {  	_ =	shalt  }
0x54: {  	_ =	shalt  }
0x55: {  	_ =	shalt  }
0x56: {  	_ =	shalt  }
0x57: {  	_ =	shalt  }
0x58: {  	_ =	shalt  }
0x59: {  	_ =	shalt  }
0x5a: {  	_ =	shalt  }
0x5b: {  	_ =	shalt  }
0x5c: {  	_ =	shalt  }
0x5d: {  	_ =	shalt  }
0x5e: {  	_ =	shalt  }
0x5f: {  	_ =	shalt  }
0x60: {  	_ =	shalt  }
0x61: {  	_ =	shalt  }
0x62: {  	_ =	shalt  }
0x63: {  	_ =	shalt  }
0x64: {  	_ =	shalt  }
0x65: {  	_ =	shalt  }
0x66: {  	_ =	shalt  }
0x67: {  	_ =	shalt  }
0x68: {  	_ =	shalt  }
0x69: {  	_ =	shalt  }
0x6a: {  	_ =	shalt  }
0x6b: {  	_ =	shalt  }
0x6c: {  	_ =	shalt  }
0x6d: {  	_ =	shalt  }
0x6e: {  	_ =	shalt  }
0x6f: {  	_ =	shalt  }
0x70: {  	_ =	shalt  }
0x71: {  	_ =	shalt  }
0x72: {  	_ =	shalt  }
0x73: {  	_ =	shalt  }
0x74: {  	_ =	shalt  }
0x75: {  	_ =	shalt  }
0x76: {  	_ =	shalt  }
0x77: {  	_ =	shalt  }
0x78: {  	_ =	shalt  }
0x79: {  	_ =	shalt  }
0x7a: {  	_ =	shalt  }
0x7b: {  	_ =	shalt  }
0x7c: {  	_ =	shalt  }
0x7d: {  	_ =	shalt  }
0x7e: {  	_ =	shalt  }
0x7f: {  	_ =	shalt  }
0x80: {  	_ =	shalt  }
0x81: {  	_ =	shalt  }
0x82: {  	_ =	shalt  }
0x83: {  	_ =	shalt  }
0x84: {  	_ =	shalt  }
0x85: {  	_ =	shalt  }
0x86: {  	_ =	shalt  }
0x87: {  	_ =	shalt  }
.Lfunc_end0:
.L_simem_size_0:
called_computation.1_lowered:
.L_overlay_start_0:
0x88: {  	s0 =	sld [smem:$0x3FD9]  }
0x89: {  	s1 =	sld [smem:$0x3FFE];
	_ =	sdelay $0x3  }
0x8a: {  	s0 =	sadd.s32 s1, s0  }
0x8b: {  	[smem:$0x3FC5] =	sst s0  }
0x8c: {  	_ = 	snop  }
0x8d: {  	(tm) =	ssettm $0x1  }
0x8e: {  	s15 =	sld [smem:$0x3FFB];
	_ =	sdelay $0x3  }
0x8f: {  	_ =	strace s15  }
0x90: {  	s0 =	sld [smem:$0x3FFC];
	_ =	sdelay $0x3  }
0x91: {  	_ =	strace s0  }
0x92: {  	s0 =	sld [smem:$0x3FFD];
	_ =	sdelay $0x3  }
0x93: {  	_ =	strace s0  }
0x94: {  	_ =	strace $0x8FFFFFFF  }
0x95: {  	s16 =	sld [smem:$0x3FDB];
	_ =	sdelay $0x1  }
0x96: {  	s17 =	simm.s32 $_scs_section_size  }
0x97: {  	s2 =	simm.s32 $_size__tile_overlayer_lowered;
	s3 =	simm.s32 $_tile_overlayer_lowered  }
0x98: {  	s20 =	simm.s32 $0x1BFF;
	s19 =	sshll.u32 s3, $0x1;
	s0 =	sadd.s32 s17, s16  }
0x99: {  	s4 =	simm.s32 $0x0;
	s18 =	sshll.u32 s2, $0x1;
	s2 =	sadd.s32 s19, s0  }
0x9a: {  	[timem:s4], [sflag:s20] =	dma.local [hbm:s2], s18  }
0x9b: {  	_ =	swait.ge [sflag:s20], s18  }
0x9c: {  	s1 =	ssub.s32 $0x0, s18;
	[sflag:s20] =	ssyncset.done $0x0  }
0x9d: {  	[sflag:s20] =	ssyncadd.s32 s1;
	_ =	sdelay $0x1  }
0x9e: {  	s21 =	simm.s32 $0x1B8B  }
0x9f: {  	_ =	swait.ge [sflag:s21], $0x1  }
0xa0: {  	[sflag:s21] =	ssyncset.done $0x0  }
0xa1: {  	s23 =	simm.s32 $0x1B8E;
	s22 =	sld [smem:$0x3FFE];
	[sflag:s21] =	ssyncadd.s32 $0xFFFFFFFF  }
0xa2: {  	s24 =	simm.s32 $execute0_lowered;
	[smem:$0x3FD2] =	sst s23  }
0xa3: {  	s2 =	sshll.u32 s24, $0x1;
	_ =	strace $0x80000049;
	[dreg:$0x1] =	wrdreg $0xFFFFFFFF  }
0xa4: {  	s25 =	simm.s32 $_size_execute0_lowered;
	s0 =	sadd.s32 s0, s2;
	[dreg:$0x0] =	wrdreg $0x0  }
0xa5: {  	s2 =	sshll.u32 s25, $0x1;
	[dreg:$0x2] =	wrdreg s0  }
0xa6: {  	[dreg:$0x3] =	wrdreg s2  }
0xa7: {  	[dreg:$0x4] =	wrdreg $0xC0  }
0xa8: {  	_ =	task [dreg:s4], $0x5FFFF  }
0xa9: {  	[dreg:$0x1] =	wrdreg $0xFFFFFFFF  }
0xaa: {  	[dreg:$0x0] =	wrdreg $0x60  }
0xab: {  	[dreg:$0x2] =	wrdreg s22  }
0xac: {  	[dreg:$0x3] =	wrdreg $0x9  }
0xad: {  	_ =	task.clear_ibuf [dreg:s4], $0x4FFFF;
	_ =	strace $0x90000049  }
0xae: {  	s26 =	simm.s32 $0x9;
	_ =	strace $0x8000004B  }
0xaf: {  	_ =	swait.ge [sflag:s26], $0x1  }
0xb0: {  	[sflag:s26] =	ssyncadd.s32 $0xFFFFFFFF  }
0xb1: {  	_ =	strace $0x9000004B  }
0xb2: {  	_ =	sfence  }
0xb3: {  	s28 =	sld [smem:$0x0];
	_ =	sdelay $0x1  }
0xb4: {  	s29 =	srdreg.scid  }
0xb5: {  	s30 =	sshll.u32 s29, $0xD;
	s31 =	sshrl.u32 s29, $0x2  }
0xb6: {  	s1 =	sand.u32 $0x1, s29;
	s2 =	sand.u32 $0x4000, s30;
	s0 =	sadd.s32 s31, s28  }
0xb7: {  	s1 =	sor.u32 s2, s1;
	s0 =	sshll.u32 s0, $0x11  }
0xb8: {  	s0 =	sor.u32 s0, s1  }
0xb9: {  	s0 =	sadd.s32 $0x8F2B, s0  }
0xba: {  	[sflag:s0] =	ssyncadd.remote.s32 $0x1  }
0xbb: {  	_ =	sfence.sel $0xFFFF  }
0xbc: {  	[dreg:$0x0] =	wrdreg $0xFFFFFFFF;
	(pc) =	sbr.abs _section_cstart, $3  }
0xbd: {  	[dreg:$0x1] =	wrdreg $0xFFFFFFFF  }
0xbe: {  	_ =	task.clear_ibuf [dreg:s4], $0x2FFFF;
	_ =	strace $0x9FFFFFFF  }
0xbf: {  	(tm) =	ssettm $0x7FFFFFFF  }
tec
execute0_lowered:
.L_overlay_start_1:
0x0: {  	(tag) =	ssettag $0x1  }
0x1: {  	s0 =	stileid.u32  }
0x2: {  	s1 =	smin.u32 s0, $0x9  }
0x3: {  	s1 =	sadd.s32 s0, s1  }
0x4: {  	p0 =	slt.u32 s0, $0x9;
	s2 =	smul.u32 $0x50, s1;
	s1 =	simm.s32 $0xA0  }
0x5: {  	s1 =	simm.s32 @!p0 $0x50  }
0x6: {  	s1 =	sadd.s32 s1, s2  }
0x7: {  	s3 =	smin.u32 s1, $0x7D0  }
0x8: {  	s7 =	ssub.s32 s3, s2  }
0x9: {  	p0 =	sgt.s32 s7, $0x0  }
0xa: {  	s7 =	simm.s32 @!p0 $0x0  }
0xb: {  	s31 =	smul.u32 $0xCCCD, s7  }
0xc: {  	s4 =	rddreg [dreg:$0x0];
	s6 =	simm.s32 $0x1  }
0xd: {  	s10 =	simm.s32 $0x3;
	s13 =	simm.s32 $0x0;
	s8 =	sshrl.u32 s31, $0x16  }
0xe: {  	s12 =	simm.s32 $0x0;
	s5 =	sadd.s32 $0xF5B800, s4;
	s9 =	smul.u32 $0x50, s8  }
.Ltmp0:
0xf: {  	s11 =	smov.u32 s2;
	s1 =	rddreg [dreg:$0x1];
	(pc) =	sbr.rel .LBB2_1-.Ltmp0, $4  }
0x10: {  	_ =	strace $0x8000004A;
	p0 =	sne.s32 s7, s9;
	s9 =	simm.s32 $0x1  }
0x11: {  	[sflag:s6] =	ssyncpa.u1 $0x0;
	s7 =	simm.s32 $0x2;
	s9 =	simm.s32 @!p0 $0x0  }
0x12: {  	[sflag:s7] =	ssyncpa.u1 $0x0;
	p0 =	por $0x0, $0x0;
	s8 =	sadd.s32 s8, s9  }
0x13: {  	vm0 =	vmmov $0xff;
	vm1 =	vcmask $0x3F20;
	s9 =	sadd.s32 $0x538000, s4;
	[sflag:s10] =	ssyncpa.u1 $0x0;
	s10 =	sadd.s32 $0x1, s8  }
.LBB2_6:
0x14: {  	[hbm:s17] =	stream.linear.scatter [tilespmem:s14], [sflag:$0x3], $0x400, $0x38;
	[tilespmem:$0x50A0] =	vst v63  }
.LBB2_7:
0x15: {  	s13 =	sadd.s32 $0x50, s11  }
0x16: {  	s15 =	smov.u32 s2;
	p2 =	slt.s32 s13, s3  }
0x17: {  	s15 =	smov.u32 @p2 s13;
	p2 =	sne.s32 s12, s10  }
.Ltmp1:
0x18: {  	p1 =	slt.u32 s12, $0x2;
	(pc) =	sbr.rel @!p2 .LBB2_8-.Ltmp1, $4  }
0x19: {  	s14 =	simm.s32 @!p1 $0x3  }
0x1a: {  	s16 =	sadd.s32 $0x1, s12;
	_ =	swait.ge @!p1 [sflag:s14], $0x2800  }
0x1b: {  	p0 =	por !p0, !p0;
	s13 =	smov.u32 s11;
	[sflag:s14] =	ssyncset.done @!p1 $0x0  }
0x1c: {  	s12 =	smov.u32 s16;
	s11 =	smov.u32 s15;
	[sflag:s14] =	ssyncadd.s32 @!p1 $0xFFFFD800  }
.LBB2_1:
0x1d: {  	p1 =	sge.u32 s12, s8  }
0x1e: {  	s14 =	sxor.u32 @!p1 $0xFFFFFFFF, s12  }
0x1f: {  	s14 =	sand.u32 @!p1 $0x1, s14  }
0x20: {  	s14 =	smul.u32 @!p1 $0x140, s14  }
0x21: {  	s31 =	sadd.s32 $0xFFFFFFFF, s12;
	s15 =	sshrl.u32 @!p1 s11, $0x3  }
0x22: {  	s16 =	sand.u32 @!p1 $0x7, s11;
	s15 =	sadd.s32 @!p1 s9, s15;
	s14 =	sshrl.u32 @!p1 s14, $0x2  }
0x23: {  	[tilespmem:s14], [sflag:$0x2] =	stream.linear.gather @!p1 [hbm4b:s15+s16], $0x50, $0x38;
	[tilespmem:$0x50A0] =	vst v63  }
0x24: {  	p1 =	sge.u32 s31, s8  }
.Ltmp2:
0x25: {  	_ = 	snop;
	(pc) =	sbr.rel @p1 .LBB2_7-.Ltmp2, $1  }
0x26: {  	_ =	sdelay $0x3  }
0x27: {  	s14 =	simm.s32 $0x1  }
0x28: {  	s14 =	simm.s32 @!p0 $0x0  }
0x29: {  	s15 =	smul.u32 $0x140, s14  }
0x2a: {  	_ =	swait.ge [sflag:s7], $0x50  }
0x2b: {  	[sflag:s7] =	ssyncset.done $0x0;
	s16 =	sshrl.u32 s15, $0x2  }
0x2c: {  	[sflag:s7] =	ssyncadd.s32 $0xFFFFFFB0;
	s15 =	sadd.s32 $0x0, s16  }
0x2d: {  	v0 =	vld.msk [tilespmem:s15+$0x0 ss:$0x1], $0xffff;
	_ =	sdelay $0x4  }
0x2e: {  	vm2 =	vgt.s32 v0, $0x0  }
0x2f: {  	v0 =	vnsel vm2, $0x0, v0  }
0x30: {  	v0 =	vmin.u32 v0, $0x2165F  }
0x31: {  	v0 =	vshll.u32 v0, $0x4  }
0x32: {  	s14 =	smul.u32 $0xA000, s14;
	_ =	sdelay $0x1  }
0x33: {  	s14 =	sshrl.u32 s14, $0x2  }
0x34: {  	s14 =	sor.u32 $0xA0, s14  }
0x35: {  	[tilespmem:s14], [sflag:$0x1] =	stream.indirect_vreg.gather [hbm:s5], $0x80, v0, vm0, $0x38;
	[tilespmem:$0x50A0] =	vst v63  }
0x36: {  	s17 =	sadd.s32 $0x10, s16;
	s15 =	sadd.s32 $0x400, s14  }
0x37: {  	[tilespmem:s15], [sflag:$0x1] =	stream.indirect_vreg.gather [hbm:s5], $0x80, v0, vm1, $0x38;
	[tilespmem:$0x50A0] =	vst v63  }
0x38: {  	s18 =	simm.s32 $0x80;
	v0 =	vld.msk [tilespmem:s17+$0x0 ss:$0x1], $0xffff;
	s17 =	smov.u32 s14  }
.LBB2_3:
0x39: {  	p1 =	sne.s32 s18, $0x100;
	_ =	sdelay $0x4  }
0x3a: {  	vm2 =	vgt.s32 v0, $0x0  }
0x3b: {  	v0 =	vnsel vm2, $0x0, v0  }
0x3c: {  	v0 =	vmin.u32 v0, $0x2165F  }
0x3d: {  	v0 =	vshll.u32 v0, $0x4;
	_ =	sdelay $0x3  }
.Ltmp3:
0x3e: {  	s19 =	sshra.s32 s18, $0x2;
	s17 =	sadd.s32 $0x800, s17;
	(pc) =	sbr.rel @p1 .LBB2_3-.Ltmp3, $4  }
0x3f: {  	[tilespmem:s17], [sflag:$0x1] =	stream.indirect_vreg.gather [hbm:s5], $0x80, v0, vm0, $0x38;
	[tilespmem:$0x50A0] =	vst v63  }
0x40: {  	s19 =	sadd.s32 s19, s16;
	s20 =	sadd.s32 $0x400, s17  }
0x41: {  	[tilespmem:s20], [sflag:$0x1] =	stream.indirect_vreg.gather [hbm:s5], $0x80, v0, vm1, $0x38;
	[tilespmem:$0x50A0] =	vst v63  }
0x42: {  	s18 =	sadd.s32 $0x40, s18;
	v0 =	vld.msk [tilespmem:s19+$0x0 ss:$0x1], $0xffff  }
0x43: {  	_ =	sdelay $0x3  }
0x44: {  	vm2 =	vgt.s32 v0, $0x0  }
0x45: {  	v0 =	vnsel vm2, $0x0, v0  }
0x46: {  	v0 =	vmin.u32 v0, $0x2165F  }
0x47: {  	v0 =	vshll.u32 v0, $0x4;
	_ =	sdelay $0x3  }
0x48: {  	s16 =	sadd.s32 $0x800, s17  }
0x49: {  	[tilespmem:s16], [sflag:$0x1] =	stream.indirect_vreg.gather [hbm:s5], $0x80, v0, vm0, $0x38;
	[tilespmem:$0x50A0] =	vst v63  }
0x4a: {  	s16 =	sadd.s32 $0x400, s16  }
0x4b: {  	[tilespmem:s16], [sflag:$0x1] =	stream.indirect_vreg.gather [hbm:s5], $0x80, v0, vm1, $0x38;
	[tilespmem:$0x50A0] =	vst v63  }
0x4c: {  	s13 =	sshll.u32 s13, $0x4;
	_ =	swait.ge [sflag:s6], $0x2800  }
0x4d: {  	s13 =	sadd.s32 s13, s4;
	[sflag:s6] =	ssyncset.done $0x0  }
0x4e: {  	s17 =	sadd.s32 $0x0, s13;
	s16 =	simm.s32 $0x80;
	[sflag:s6] =	ssyncadd.s32 $0xFFFFD800  }
.LBB2_5:
0x4f: {  	[hbm:s17] =	stream.linear.scatter [tilespmem:s14], [sflag:$0x3], $0x400, $0x38;
	[tilespmem:$0x50A0] =	vst v63  }
0x50: {  	s17 =	smov.u32 s16;
	s14 =	smov.u32 s15;
	p1 =	sne.s32 s16, $0x480  }
.Ltmp4:
0x51: {  	s16 =	sadd.s32 $0x80, s16;
	(pc) =	sbr.rel @p1 .LBB2_5-.Ltmp4, $2  }
0x52: {  	_ =	sdelay $0x2  }
0x53: {  	s15 =	sadd.s32 $0x400, s15;
	s17 =	sadd.s32 s17, s13  }
.Ltmp5:
0x54: {  	_ = 	snop;
	(pc) =	sbr.rel .LBB2_6-.Ltmp5, $1  }
0x55: {  	_ =	sdelay $0x3  }
.LBB2_8:
0x56: {  	_ =	sfence.sel $0x180000  }
0x57: {  	s2 =	simm.s32 $0x2;
	[bflag:$0x0] =	sbarrier.arrive $0xFFFF  }
0x58: {  	s30 =	simm.s32 $0x3;
	[sflag:s2] =	ssyncpa.u1 $0x1  }
0x59: {  	s31 =	simm.s32 $0x1;
	[sflag:s30] =	ssyncpa.u1 $0x1  }
0x5a: {  	[sflag:s31] =	ssyncpa.u1 $0x1  }
0x5b: {  	p0 =	sne.s32 s0, $0x0;
	_ =	strace $0x9000004A  }
0x5c: {  	s0 =	sadd.s32 @!p0 $0x100000, s1;
	[bflag:$0x2] =	sbarrier.arrive $0xFFFF  }
0x5d: {  	[sflag:s0] =	ssyncadd.tile.s32 @!p0 $0x1;
	_ =	shalt  }
.Lfunc_end2:
_tile_overlayer_lowered:
.L_overlay_start_2:
0x5e: {  	(tag) =	ssettag $0x2  }
0x5f: {  	s0 =	rddreg [dreg:$0x0];
	s2 =	stileid.u32  }
0x60: {  	s1 =	rddreg [dreg:$0x1];
	p0 =	sne.s32 s2, $0x0  }
0x61: {  	s3 =	rddreg [dreg:$0x2];
	[bflag:$0x3] =	sbarrier.arrive $0xFFFF;
	s2 =	simm.s32 @!p0 $0x1C01  }
0x62: {  	[timem:s3], [sflag:s2] =	dma.local @!p0 [hbm:s0], s1  }
0x63: {  	s0 =	simm.s32 @!p0 $0x1  }
0x64: {  	_ =	swait.ge @!p0 [sflag:s0], s1  }
0x65: {  	s1 =	ssub.s32 @!p0 $0x0, s1;
	[sflag:s0] =	ssyncset.done @!p0 $0x0  }
0x66: {  	[sflag:s0] =	ssyncadd.s32 @!p0 s1  }
0x67: {  	[bflag:$0x3] =	sbarrier.arrive $0xFFFF  }
0x68: {  	_ =	shalt  }

// kernel: sparse-core-data-format-call.cloned.1.call-start
scs
called_computation_lowered:
.L_overlay_start_0:
0x0: {  	s1 =	sld [smem:$0x3FD9]  }
0x1: {  	s2 =	sld [smem:$0x3FFE];
	_ =	sdelay $0x1  }
0x2: {  	s3 =	srdreg.scid  }
0x3: {  	s0 =	sand.u32 $0x1, s3  }
0x4: {  	s17 =	sshll.u32 s0, $0xA;
	s1 =	sadd.s32 s2, s1  }
0x5: {  	s1 =	sadd.s32 s1, s17  }
0x6: {  	[smem:$0x3FC5] =	sst s1  }
0x7: {  	_ = 	snop  }
0x8: {  	(tm) =	ssettm $0x1  }
0x9: {  	s18 =	sld [smem:$0x3FFB];
	_ =	sdelay $0x3  }
0xa: {  	_ =	strace s18  }
0xb: {  	s1 =	sld [smem:$0x3FFC];
	_ =	sdelay $0x3  }
0xc: {  	_ =	strace s1  }
0xd: {  	s1 =	sld [smem:$0x3FFD];
	_ =	sdelay $0x3  }
0xe: {  	_ =	strace s1  }
0xf: {  	_ =	strace $0x8FFFFFFF  }
0x10: {  	s19 =	sld [smem:$0x3FDB];
	_ =	sdelay $0x1  }
0x11: {  	s20 =	simm.s32 $_scs_section_size  }
0x12: {  	s4 =	simm.s32 $_size__tile_overlayer_lowered;
	s5 =	simm.s32 $_tile_overlayer_lowered  }
0x13: {  	s23 =	simm.s32 $0x1BFF;
	s22 =	sshll.u32 s5, $0x1;
	s1 =	sadd.s32 s20, s19  }
0x14: {  	s6 =	simm.s32 $0x0;
	s21 =	sshll.u32 s4, $0x1;
	s4 =	sadd.s32 s22, s1  }
0x15: {  	[timem:s6], [sflag:s23] =	dma.local [hbm:s4], s21  }
0x16: {  	_ =	swait.ge [sflag:s23], s21  }
0x17: {  	s2 =	ssub.s32 $0x0, s21;
	[sflag:s23] =	ssyncset.done $0x0  }
0x18: {  	[sflag:s23] =	ssyncadd.s32 s2;
	_ =	sdelay $0x1  }
0x19: {  	s24 =	simm.s32 $0x1B8B  }
0x1a: {  	_ =	swait.ge [sflag:s24], $0x1  }
0x1b: {  	[sflag:s24] =	ssyncset.done $0x0  }
0x1c: {  	s26 =	simm.s32 $0x1B8E;
	s25 =	sld [smem:$0x3FFE];
	[sflag:s24] =	ssyncadd.s32 $0xFFFFFFFF  }
0x1d: {  	s27 =	simm.s32 $execute0_lowered;
	[smem:$0x3FD2] =	sst s26  }
0x1e: {  	s4 =	sshll.u32 s27, $0x1;
	_ =	strace $0x80000046;
	[dreg:$0x1] =	wrdreg $0xFFFFFFFF  }
0x1f: {  	s28 =	simm.s32 $_size_execute0_lowered;
	s1 =	sadd.s32 s1, s4;
	[dreg:$0x0] =	wrdreg $0x0  }
0x20: {  	s4 =	sshll.u32 s28, $0x1;
	[dreg:$0x2] =	wrdreg s1  }
0x21: {  	[dreg:$0x3] =	wrdreg s4  }
0x22: {  	[dreg:$0x4] =	wrdreg $0xC0  }
0x23: {  	_ =	task [dreg:s6], $0x5FFFF  }
0x24: {  	[dreg:$0x1] =	wrdreg $0xFFFFFFFF  }
0x25: {  	[dreg:$0x0] =	wrdreg $0x60  }
0x26: {  	[dreg:$0x2] =	wrdreg s25  }
0x27: {  	[dreg:$0x3] =	wrdreg $0x9  }
0x28: {  	_ =	task.clear_ibuf [dreg:s6], $0x4FFFF;
	_ =	strace $0x90000046  }
0x29: {  	s29 =	simm.s32 $0x9;
	_ =	strace $0x80000048  }
0x2a: {  	_ =	swait.ge [sflag:s29], $0x1  }
0x2b: {  	[sflag:s29] =	ssyncadd.s32 $0xFFFFFFFF  }
0x2c: {  	_ =	strace $0x90000048  }
0x2d: {  	_ =	sfence  }
0x2e: {  	s30 =	sld [smem:$0x0];
	_ =	sdelay $0x2  }
0x2f: {  	s31 =	sshll.u32 s3, $0xD;
	s3 =	sshrl.u32 s3, $0x2  }
0x30: {  	s2 =	sand.u32 $0x4000, s31;
	s1 =	sadd.s32 s3, s30  }
0x31: {  	s0 =	sor.u32 s2, s0;
	s1 =	sshll.u32 s1, $0x11  }
0x32: {  	s0 =	sor.u32 s1, s0  }
0x33: {  	s0 =	sadd.s32 $0x8F2B, s0  }
0x34: {  	[sflag:s0] =	ssyncadd.remote.s32 $0x1  }
0x35: {  	_ =	sfence.sel $0xFFFF  }
0x36: {  	[dreg:$0x0] =	wrdreg $0xFFFFFFFF;
	(pc) =	sbr.abs _section_cstart, $3  }
0x37: {  	[dreg:$0x1] =	wrdreg $0xFFFFFFFF  }
0x38: {  	_ =	task.clear_ibuf [dreg:s6], $0x2FFFF;
	_ =	strace $0x9FFFFFFF  }
0x39: {  	(tm) =	ssettm $0x7FFFFFFF  }
tec
execute0_lowered:
.L_overlay_start_1:
0x0: {  	(tag) =	ssettag $0x1  }
0x1: {  	s0 =	srdreg.scid  }
0x2: {  	s1 =	stileid.u32;
	s9 =	rddreg [dreg:$0x0];
	_ =	strace $0x80000047  }
0x3: {  	s29 =	simm.s32 $0x1;
	s31 =	simm.s32 $0x2;
	s22 =	simm.s32 $0x0  }
0x4: {  	p0 =	por $0x0, $0x0;
	s21 =	simm.s32 $0x0;
	s0 =	sshll.u32 s0, $0x4  }
0x5: {  	s23 =	simm.s32 $0x0;
	s24 =	simm.s32 $0x0;
	s0 =	sand.u32 $0x10, s0  }
0x6: {  	s12 =	simm.s32 $0x0;
	s7 =	sand.u32 $0x1, s1;
	s0 =	sor.u32 s1, s0  }
0x7: {  	s13 =	simm.s32 $0x0;
	s26 =	ssub.s32 $0x2, s7;
	s8 =	sshrl.u32 s0, $0x1  }
0x8: {  	s27 =	sshrl.u32 s26, $0x1;
	s0 =	sand.u32 $0x1, s26;
	s2 =	ssub.s32 $0xA7, s8  }
0x9: {  	s14 =	simm.s32 $0x0;
	s0 =	sadd.s32 s0, s27;
	s28 =	sshrl.u32 s2, $0x4  }
0xa: {  	s15 =	simm.s32 $0x0;
	s30 =	sadd.s32 $0x357000, s9;
	s0 =	smul.u32 s28, s0  }
.Ltmp0:
0xb: {  	s17 =	simm.s32 $0x0;
	[dreg:$0x5] =	wrdreg s30;
	(pc) =	sbr.rel .LBB1_1-.Ltmp0, $4  }
0xc: {  	s18 =	simm.s32 $0x0;
	[dreg:$0x2] =	wrdreg s7;
	s10 =	smul.u32 $0x9, s0  }
0xd: {  	s20 =	simm.s32 $0x0;
	[sflag:s29] =	ssyncpa.u1 $0x0;
	[dreg:$0x3] =	wrdreg s8  }
0xe: {  	[sflag:s31] =	ssyncpa.u1 $0x0;
	s11 =	sadd.s32 $0x1, s10;
	[dreg:$0x4] =	wrdreg s10  }
0xf: {  	s19 =	smov.u32 s7;
	s16 =	smov.u32 s8;
	[dreg:$0x6] =	wrdreg s11  }
.LBB1_16:
0x10: {  	s14 =	rddreg [dreg:$0x9]  }
0x11: {  	s1 =	rddreg [dreg:$0x16]  }
0x12: {  	s13 =	rddreg [dreg:$0x8]  }
0x13: {  	s22 =	rddreg [dreg:$0x17]  }
0x14: {  	s23 =	rddreg [dreg:$0x14]  }
0x15: {  	s25 =	rddreg [dreg:$0x19]  }
0x16: {  	s26 =	rddreg [dreg:$0x15]  }
0x17: {  	s15 =	rddreg [dreg:$0xa]  }
0x18: {  	s12 =	rddreg [dreg:$0x7]  }
0x19: {  	s6 =	rddreg [dreg:$0x5]  }
0x1a: {  	s7 =	rddreg [dreg:$0x2]  }
0x1b: {  	s8 =	rddreg [dreg:$0x3]  }
0x1c: {  	s9 =	rddreg [dreg:$0x0]  }
0x1d: {  	s10 =	rddreg [dreg:$0x4]  }
0x1e: {  	s11 =	rddreg [dreg:$0x6]  }
0x1f: {  	s16 =	rddreg [dreg:$0xb]  }
0x20: {  	s17 =	rddreg [dreg:$0xc]  }
0x21: {  	s18 =	rddreg [dreg:$0xd]  }
0x22: {  	s19 =	rddreg [dreg:$0xe]  }
0x23: {  	s20 =	rddreg [dreg:$0xf]  }
0x24: {  	s31 =	simm.s32 $0x4C000;
	s21 =	rddreg [dreg:$0x10]  }
0x25: {  	p1 =	sgt.s32 s14, $0xF;
	s0 =	smov.u32 s14;
	s2 =	smov.u32 s13  }
0x26: {  	s24 =	sshll.u32 s14, $0x7;
	s3 =	sshll.u32 s13, $0x3;
	s0 =	simm.s32 @!p1 $0xF  }
0x27: {  	s27 =	smul.u32 $0x3B6000, s15;
	s28 =	sshll.u32 s12, $0x8;
	s0 =	sadd.s32 s1, s0  }
0x28: {  	s5 =	sshrl.u32 s13, $0x3;
	p1 =	sgt.s32 s13, $0x0;
	s1 =	sadd.s32 $0xFFFFFFF1, s0  }
0x29: {  	s2 =	simm.s32 @!p1 $0x0;
	s0 =	ssub.s32 $0x10, s0;
	p1 =	sgt.s32 s1, $0x0  }
0x2a: {  	s29 =	sand.u32 $0x7, s13;
	s1 =	sadd.s32 s2, s22;
	s0 =	simm.s32 @p1 $0x0  }
0x2b: {  	p1 =	sgt.s32 s1, $0x7F;
	s1 =	ssub.s32 $0x80, s1;
	s0 =	smul.u32 s0, s23  }
0x2c: {  	s4 =	sand.u32 $0x400, s24;
	s3 =	sand.u32 $0x400, s3;
	s1 =	simm.s32 @p1 $0x0  }
0x2d: {  	s3 =	sadd.s32 s4, s3;
	s4 =	sshll.u32 s29, $0x12;
	s0 =	smul.u32 s1, s0  }
0x2e: {  	s5 =	sand.u32 $0xF, s5;
	s30 =	sor.u32 $0x80, s4;
	s22 =	rddreg [dreg:$0x11]  }
0x2f: {  	s2 =	sand.u32 $0x380, s24;
	s24 =	rddreg [dreg:$0x13];
	s0 =	smul.u32 s26, s0  }
0x30: {  	s2 =	sor.u32 s2, s3;
	s3 =	sadd.s32 s6, s27;
	s1 =	smul.u32 $0x4080, s25  }
0x31: {  	s2 =	sshrl.u32 s2, $0x3;
	s3 =	sadd.s32 s28, s3;
	s0 =	smul.u32 $0x64, s0  }
0x32: {  	s23 =	rddreg [dreg:$0x12];
	s2 =	sand.u32 $0xF0, s2;
	s3 =	sadd.s32 s5, s3  }
0x33: {  	s2 =	sadd.s32 s2, s3;
	s1 =	sor.u32 $0x8000, s1;
	s0 =	sand.u32 $0x3FFFFFFC, s0  }
0x34: {  	[hbm4b:s2+s30] =	stream.strided.scatter [tilespmem:s1], [sflag:$0x2], s0, s31, s30, $0x20;
	[tilespmem:$0x10100] =	vst v63  }
.LBB1_17:
0x35: {  	p1 =	slt.u32 s20, $0x2;
	s1 =	smov.u32 s24;
	s2 =	smov.u32 s22  }
0x36: {  	s3 =	smov.u32 s23;
	s5 =	smov.u32 s17;
	p0 =	por !p0, !p0  }
0x37: {  	p2 =	sgt.s32 @!p1 s24, $0x1;
	s0 =	sshra.s32 @!p1 s24, $0x1F;
	p3 =	sgt.s32 @!p1 s22, $0x97  }
0x38: {  	p4 =	sgt.s32 @!p1 s23, $0xF;
	p2 =	por !p2, p1;
	s0 =	sand.u32 @!p1 s0, s24  }
0x39: {  	s4 =	sshra.s32 @!p1 s23, $0x1F;
	s1 =	simm.s32 @p2 $0x1;
	s0 =	sxor.u32 @!p1 $0xFFFFFFFF, s0  }
0x3a: {  	p3 =	por !p3, p1;
	p4 =	por !p4, p1;
	s0 =	sadd.s32 @!p1 s0, s1  }
0x3b: {  	s4 =	sand.u32 @!p1 s4, s23;
	s23 =	smov.u32 s14;
	s1 =	ssub.s32 @!p1 $0x1, s0  }
0x3c: {  	p2 =	sgt.s32 @!p1 s0, $0x0;
	s0 =	smul.u32 @!p1 $0x64, s1;
	s1 =	sshra.s32 @!p1 s22, $0x1F  }
0x3d: {  	s2 =	simm.s32 @p3 $0x97;
	s3 =	simm.s32 @p4 $0xF;
	s1 =	sand.u32 @!p1 s1, s22  }
0x3e: {  	p2 =	por !p2, p1;
	s1 =	ssub.s32 @!p1 s2, s1;
	s2 =	ssub.s32 @!p1 s3, s4  }
0x3f: {  	s0 =	simm.s32 @!p2 $0x0;
	s3 =	sadd.s32 @!p1 $0xFFFFFF69, s1;
	s4 =	sadd.s32 @!p1 $0xFFFFFFF1, s2  }
0x40: {  	s2 =	ssub.s32 @!p1 $0x10, s2;
	s1 =	ssub.s32 @!p1 $0x98, s1;
	p2 =	sgt.s32 @!p1 s3, $0x0  }
0x41: {  	p3 =	sgt.s32 @!p1 s4, $0x0;
	s3 =	ssub.s32 @!p1 $0x0, s21;
	s4 =	sadd.s32 $0x10, s16  }
0x42: {  	p3 =	por !p3, p1;
	s3 =	smin.u32 @!p1 s21, s3;
	p4 =	sgt.s32 s4, $0x97  }
0x43: {  	s2 =	simm.s32 @!p3 $0x0;
	p3 =	sgt.s32 @!p1 s3, $0x7F;
	s3 =	ssub.s32 @!p1 $0x80, s3  }
0x44: {  	p3 =	por !p3, p1;
	s0 =	smul.u32 @!p1 s0, s2;
	s2 =	sadd.s32 $0x80, s17  }
0x45: {  	p2 =	por !p2, p1;
	s3 =	simm.s32 @!p3 $0x0;
	s5 =	smov.u32 @p4 s2  }
0x46: {  	s2 =	simm.s32 $0x1;
	s0 =	smul.u32 @!p1 s3, s0;
	p3 =	sgt.s32 s5, $0x4F  }
0x47: {  	s24 =	smov.u32 s15;
	s1 =	simm.s32 @!p2 $0x0;
	s2 =	simm.s32 @!p3 $0x0  }
0x48: {  	s14 =	smov.u32 s18;
	s0 =	smul.u32 @!p1 s1, s0;
	s1 =	sadd.s32 s2, s18  }
0x49: {  	s3 =	smov.u32 s19;
	s2 =	sadd.s32 $0x2, s19;
	p2 =	sgt.s32 s1, $0x8  }
0x4a: {  	s15 =	smov.u32 s19;
	s22 =	smov.u32 s12;
	s3 =	smov.u32 @p2 s2  }
0x4b: {  	s12 =	smov.u32 s16;
	s1 =	simm.s32 @p2 $0x0;
	p2 =	sgt.s32 s3, $0x1  }
0x4c: {  	s21 =	smov.u32 s13;
	s3 =	smov.u32 @p2 s7;
	p2 =	sne.s32 s20, s11  }
.Ltmp1:
0x4d: {  	s13 =	smov.u32 s17;
	s4 =	smov.u32 @p4 s8;
	(pc) =	sbr.rel @!p2 .LBB1_18-.Ltmp1, $4  }
0x4e: {  	s5 =	simm.s32 @p3 $0x0;
	s0 =	sand.u32 @!p1 $0x3FFFFFFC, s0;
	s2 =	simm.s32 @!p1 $0x2  }
0x4f: {  	s16 =	smov.u32 s4;
	s17 =	smov.u32 s5;
	_ =	swait.ge @!p1 [sflag:s2], s0  }
0x50: {  	s0 =	ssub.s32 @!p1 $0x0, s0;
	s18 =	smov.u32 s1;
	[sflag:s2] =	ssyncset.done @!p1 $0x0  }
0x51: {  	s20 =	sadd.s32 $0x1, s20;
	[sflag:s2] =	ssyncadd.s32 @!p1 s0;
	s19 =	smov.u32 s3  }
.LBB1_1:
0x52: {  	p1 =	sge.u32 s20, s10;
	s1 =	smov.u32 s18  }
0x53: {  	s3 =	smov.u32 s19;
	p2 =	sgt.s32 @!p1 s19, $0x1;
	p3 =	sgt.s32 @!p1 s18, $0x8  }
0x54: {  	s0 =	sshra.s32 @!p1 s19, $0x1F;
	s2 =	sshra.s32 @!p1 s18, $0x1F;
	s4 =	sshra.s32 @!p1 s17, $0x1F  }
0x55: {  	s6 =	smul.u32 @!p1 $0x980, s17;
	p2 =	por !p2, p1;
	p3 =	por !p3, p1  }
0x56: {  	s0 =	sand.u32 @!p1 s0, s19;
	s2 =	sand.u32 @!p1 s2, s18;
	s4 =	sand.u32 @!p1 s4, s17  }
0x57: {  	s1 =	simm.s32 @p3 $0x8;
	s3 =	simm.s32 @p2 $0x1;
	s0 =	sxor.u32 @!p1 $0xFFFFFFFF, s0  }
0x58: {  	p3 =	sgt.s32 @!p1 s17, $0xFFFFFFD0;
	s1 =	ssub.s32 @!p1 s1, s2;
	s2 =	sand.u32 @!p1 $0x1FFFFFF, s16  }
0x59: {  	s0 =	sadd.s32 @!p1 s0, s3;
	p3 =	por !p3, p1;
	s3 =	sadd.s32 @!p1 $0xFFFFFFF8, s1  }
0x5a: {  	s1 =	ssub.s32 @!p1 $0x9, s1;
	p2 =	sgt.s32 @!p1 s3, $0x0;
	s3 =	smov.u32 s17  }
0x5b: {  	p2 =	por !p2, p1;
	s3 =	simm.s32 @p3 $0xFFFFFFD0;
	p3 =	sgt.s32 @!p1 s16, $0x97  }
0x5c: {  	s1 =	simm.s32 @!p2 $0x0;
	s3 =	ssub.s32 @!p1 s3, s4;
	p2 =	por !p3, p1  }
0x5d: {  	s4 =	smov.u32 s16;
	p3 =	sgt.s32 @!p1 s0, $0x0;
	s0 =	sshll.u32 @!p1 s0, $0x7  }
0x5e: {  	s5 =	sadd.s32 @!p1 $0x30, s3;
	s0 =	ssub.s32 @!p1 $0x80, s0;
	p3 =	por !p3, p1  }
0x5f: {  	s4 =	simm.s32 @p2 $0x97;
	p2 =	sgt.s32 @!p1 s5, $0x7F;
	s0 =	simm.s32 @!p3 $0x0  }
0x60: {  	s3 =	ssub.s32 @!p1 $0x50, s3;
	p2 =	por !p2, p1;
	s0 =	smul.u32 @!p1 s1, s0  }
0x61: {  	s5 =	sshra.s32 @!p1 s16, $0x1F;
	s1 =	smulhi.u32 @!p1 $0x1AF286C, s2;
	s3 =	simm.s32 @!p2 $0x0  }
0x62: {  	s5 =	sand.u32 @!p1 s5, s16;
	s0 =	smul.u32 @!p1 s3, s0  }
0x63: {  	s4 =	ssub.s32 @!p1 s4, s5;
	s1 =	smul.u32 @!p1 $0x98, s1  }
0x64: {  	s31 =	sadd.s32 $0xFFFFFFFF, s20;
	s5 =	sadd.s32 @!p1 $0xFFFFFF69, s4;
	s3 =	smul.u32 @!p1 $0x1AB800, s19  }
0x65: {  	s4 =	ssub.s32 @!p1 $0x98, s4;
	p2 =	sgt.s32 @!p1 s5, $0x0;
	s5 =	smul.u32 @!p1 $0x2F800, s18  }
0x66: {  	p2 =	por !p2, p1;
	s3 =	sadd.s32 @!p1 s9, s3;
	s1 =	ssub.s32 @!p1 s2, s1  }
0x67: {  	s4 =	simm.s32 @!p2 $0x0;
	s2 =	sadd.s32 @!p1 s5, s3;
	s1 =	sshll.u32 @!p1 s1, $0x4  }
0x68: {  	s0 =	smul.u32 @!p1 s4, s0;
	s4 =	sxor.u32 @!p1 $0xFFFFFFFF, s20;
	s2 =	sadd.s32 @!p1 s6, s2  }
0x69: {  	s3 =	simm.s32 @!p1 $0x4C00;
	s4 =	sshll.u32 @!p1 s4, $0xE;
	s1 =	sadd.s32 @!p1 s1, s2  }
0x6a: {  	s2 =	simm.s32 @!p1 $0x80;
	s4 =	sand.u32 @!p1 $0x4000, s4;
	s0 =	sand.u32 @!p1 $0x3FFFFF80, s0  }
0x6b: {  	[tilespmem:s4], [sflag:$0x1] =	stream.strided.gather @!p1 [hbm4b:s1+s2], s0, s3, s2, $0x38;
	[tilespmem:$0x10100] =	vst v63  }
0x6c: {  	p1 =	sge.u32 s31, s10  }
.Ltmp2:
0x6d: {  	_ = 	snop;
	(pc) =	sbr.rel @p1 .LBB1_17-.Ltmp2, $1  }
0x6e: {  	_ =	sdelay $0x3  }
0x6f: {  	[dreg:$0x13] =	wrdreg s24  }
0x70: {  	[dreg:$0x12] =	wrdreg s23  }
0x71: {  	[dreg:$0x11] =	wrdreg s22  }
0x72: {  	[dreg:$0x10] =	wrdreg s21  }
0x73: {  	[dreg:$0xe] =	wrdreg s19  }
0x74: {  	[dreg:$0xd] =	wrdreg s18  }
0x75: {  	[dreg:$0xc] =	wrdreg s17  }
0x76: {  	[dreg:$0xb] =	wrdreg s16  }
0x77: {  	s0 =	sshra.s32 s15, $0x1F;
	p1 =	sgt.s32 s15, $0x1;
	s1 =	smov.u32 s15  }
0x78: {  	s22 =	ssub.s32 $0x0, s14;
	s23 =	sshra.s32 s14, $0x1F;
	p2 =	sgt.s32 s14, $0x8  }
0x79: {  	s2 =	smov.u32 s14;
	s24 =	sshra.s32 s12, $0x1F;
	s4 =	ssub.s32 $0x0, s13  }
0x7a: {  	s5 =	sshra.s32 s13, $0x1F;
	[dreg:$0xa] =	wrdreg s15;
	s0 =	sand.u32 s0, s15  }
0x7b: {  	s1 =	simm.s32 @!p1 $0x1;
	s2 =	simm.s32 @!p2 $0x8;
	s0 =	sxor.u32 $0xFFFFFFFF, s0  }
0x7c: {  	s5 =	sand.u32 s4, s5;
	s0 =	sadd.s32 s0, s1;
	s1 =	smov.u32 s12  }
0x7d: {  	p1 =	sgt.s32 s0, $0x0;
	s6 =	ssub.s32 $0x1, s0;
	s0 =	sand.u32 s22, s23  }
0x7e: {  	s6 =	simm.s32 @p1 $0x0;
	[dreg:$0x16] =	wrdreg s0;
	s0 =	sadd.s32 s0, s2  }
0x7f: {  	p1 =	sgt.s32 s12, $0x97;
	s2 =	sand.u32 s24, s12;
	s3 =	sadd.s32 $0xFFFFFFF8, s0  }
0x80: {  	s1 =	simm.s32 @!p1 $0x97;
	p1 =	sgt.s32 s13, $0xFFFFFFD0;
	s0 =	ssub.s32 $0x9, s0  }
0x81: {  	s1 =	ssub.s32 s1, s2;
	s2 =	smov.u32 s13;
	p2 =	sgt.s32 s3, $0x0  }
0x82: {  	s3 =	sadd.s32 $0x1, s14;
	s25 =	sadd.s32 $0xFFFFFF69, s1;
	s2 =	simm.s32 @!p1 $0xFFFFFFD0  }
0x83: {  	s4 =	ssub.s32 $0x98, s1;
	p1 =	sgt.s32 s25, $0x0;
	s26 =	sadd.s32 s5, s2  }
0x84: {  	s4 =	simm.s32 @p1 $0x0;
	s2 =	sadd.s32 $0x30, s26;
	s1 =	ssub.s32 $0x50, s26  }
0x85: {  	s27 =	smul.u32 s6, s4;
	p1 =	sgt.s32 s2, $0x7F;
	s2 =	sadd.s32 $0x1, s15  }
0x86: {  	s0 =	simm.s32 @p2 $0x0;
	s1 =	simm.s32 @p1 $0x0;
	p1 =	slt.s32 s2, $0x2  }
0x87: {  	s0 =	smul.u32 s0, s27;
	s2 =	simm.s32 @!p1 $0x2;
	p1 =	slt.s32 s3, $0x9  }
0x88: {  	[dreg:$0x9] =	wrdreg s14;
	s2 =	ssub.s32 s2, s15;
	s3 =	simm.s32 @!p1 $0x9  }
0x89: {  	s0 =	smul.u32 s1, s0;
	s1 =	sadd.s32 $0x80, s13;
	s3 =	ssub.s32 s3, s14  }
0x8a: {  	[dreg:$0x18] =	wrdreg s2;
	p1 =	slt.s32 s2, $0x1;
	p2 =	slt.s32 s1, $0x50  }
0x8b: {  	s2 =	sadd.s32 $0x1, s12;
	s1 =	simm.s32 @!p2 $0x50;
	p2 =	slt.s32 @!p1 s3, $0x1  }
0x8c: {  	p3 =	slt.s32 s2, $0x98;
	s30 =	ssub.s32 s1, s13;
	p2 =	por p1, p2  }
0x8d: {  	[dreg:$0x8] =	wrdreg s13;
	s2 =	simm.s32 @!p3 $0x98;
	p3 =	slt.s32 @!p2 s30, $0x1  }
0x8e: {  	[dreg:$0x7] =	wrdreg s12;
	s31 =	ssub.s32 s2, s12;
	p2 =	por p2, p3  }
0x8f: {  	[dreg:$0x17] =	wrdreg s5;
	p3 =	slt.s32 @!p2 s31, $0x1  }
0x90: {  	[dreg:$0x14] =	wrdreg s6;
	p2 =	por p2, p3  }
.Ltmp3:
0x91: {  	[dreg:$0x15] =	wrdreg s4;
	s0 =	sshll.u32 s0, $0x7;
	(pc) =	sbr.rel @p2 .LBB1_16-.Ltmp3, $4  }
0x92: {  	s28 =	simm.s32 $0x1;
	[dreg:$0x1a] =	wrdreg s3;
	s0 =	sand.u32 $0x3FFFFF80, s0  }
0x93: {  	s29 =	sand.u32 $0x1, s20;
	_ =	swait.ge [sflag:s28], s0  }
0x94: {  	s0 =	ssub.s32 $0x0, s0;
	[dreg:$0xf] =	wrdreg s20;
	[sflag:s28] =	ssyncset.done $0x0  }
0x95: {  	[dreg:$0x19] =	wrdreg s29;
	[sflag:s28] =	ssyncadd.s32 s0  }
0x96: {  	s0 =	simm.s32 $0x1  }
0x97: {  	s0 =	simm.s32 @!p0 $0x0  }
0x98: {  	s0 =	smul.u32 $0x10200, s0;
	_ =	sdelay $0x1  }
0x99: {  	s0 =	sshrl.u32 s0, $0x2  }
0x9a: {  	s1 =	sadd.s32 $0xB060, s0;
	s27 =	sadd.s32 $0xA850, s0  }
0x9b: {  	s28 =	sadd.s32 $0xA040, s0;
	s29 =	sadd.s32 $0x9830, s0;
	s7 =	sadd.s32 $0x9020, s0  }
0x9c: {  	s5 =	sadd.s32 $0x8810, s0;
	s8 =	sor.u32 $0x8000, s0;
	s0 =	rddreg [dreg:$0x19]  }
.Ltmp4:
0x9d: {  	[dreg:$0x1b] =	wrdreg s1;
	(pc) =	sbr.rel .LBB1_4-.Ltmp4, $4  }
0x9e: {  	[dreg:$0x1c] =	wrdreg s27  }
0x9f: {  	[dreg:$0x1d] =	wrdreg s28  }
0xa0: {  	[dreg:$0x1e] =	wrdreg s29;
	s0 =	sshll.u32 @!p1 s0, $0xE  }
0xa1: {  	s3 =	simm.s32 $0x0;
	[dreg:$0x1f] =	wrdreg s0  }
.LBB1_15:
0xa2: {  	s0 =	rddreg [dreg:$0x1b]  }
0xa3: {  	s26 =	rddreg [dreg:$0x1c]  }
0xa4: {  	s3 =	sadd.s32 $0x1, s3;
	s29 =	rddreg [dreg:$0x18]  }
0xa5: {  	s27 =	rddreg [dreg:$0x1d];
	p1 =	sne.s32 s3, s29  }
.Ltmp5:
0xa6: {  	s28 =	rddreg [dreg:$0x1e];
	s0 =	sadd.s32 $0x4080, s0;
	(pc) =	sbr.rel @!p1 .LBB1_16-.Ltmp5, $4  }
0xa7: {  	[dreg:$0x1b] =	wrdreg s0;
	s0 =	sadd.s32 $0x4080, s26  }
0xa8: {  	[dreg:$0x1c] =	wrdreg s0;
	s0 =	sadd.s32 $0x4080, s27  }
0xa9: {  	s7 =	sadd.s32 $0x4080, s7;
	[dreg:$0x1d] =	wrdreg s0;
	s0 =	sadd.s32 $0x4080, s28  }
0xaa: {  	s5 =	sadd.s32 $0x4080, s5;
	s8 =	sadd.s32 $0x4080, s8;
	[dreg:$0x1e] =	wrdreg s0  }
.LBB1_4:
.Ltmp6:
0xab: {  	(pc) =	sbr.rel .LBB1_5-.Ltmp6, $2  }
0xac: {  	_ =	sdelay $0x2  }
0xad: {  	s6 =	simm.s32 $0x0;
	s25 =	simm.s32 $0x0  }
.LBB1_14:
0xae: {  	s25 =	sadd.s32 $0x1, s25;
	s0 =	rddreg [dreg:$0x1a]  }
0xaf: {  	p1 =	sne.s32 s25, s0  }
.Ltmp7:
0xb0: {  	_ = 	snop;
	(pc) =	sbr.rel @!p1 .LBB1_15-.Ltmp7, $2  }
0xb1: {  	_ =	sdelay $0x2  }
0xb2: {  	s6 =	sadd.s32 $0x1, s6  }
.LBB1_5:
0xb3: {  	s1 =	rddreg [dreg:$0x1b]  }
0xb4: {  	s0 =	sand.u32 $0x7, s6;
	s2 =	rddreg [dreg:$0x1c]  }
0xb5: {  	s24 =	rddreg [dreg:$0x1d];
	s0 =	smul.u32 $0x204, s0  }
0xb6: {  	s23 =	sadd.s32 s3, s25;
	s26 =	rddreg [dreg:$0x1e]  }
0xb7: {  	s28 =	rddreg [dreg:$0x1f];
	s13 =	simm.s32 $0x0;
	s0 =	sshrl.u32 s0, $0x2  }
0xb8: {  	s22 =	simm.s32 $0x0;
	s12 =	simm.s32 $0x0;
	s16 =	sadd.s32 s0, s1  }
0xb9: {  	s17 =	sadd.s32 s0, s2;
	s27 =	sadd.s32 s0, s24;
	s1 =	sshll.u32 s23, $0x10  }
0xba: {  	s2 =	sadd.s32 s0, s26;
	s29 =	sadd.s32 s0, s7;
	s1 =	sshra.s32 s1, $0x2  }
0xbb: {  	s14 =	sadd.s32 s0, s5;
	s15 =	sadd.s32 s0, s8;
	s21 =	sadd.s32 s1, s28  }
.LBB1_6:
0xbc: {  	s0 =	sshll.u32 s12, $0x9  }
0xbd: {  	s0 =	sshra.s32 s0, $0x2  }
0xbe: {  	p3 =	sne.s32 s31, $0x1;
	s0 =	sadd.s32 s0, s21  }
.Ltmp8:
0xbf: {  	v0 =	vmov s0;
	(pc) =	sbr.rel @!p3 .LBB1_7-.Ltmp8, $4  }
0xc0: {  	_ = 	snop  }
0xc1: {  	s1 =	sand.u32 $0x7F, s22  }
0xc2: {  	s18 =	sand.u32 $0x380, s13;
	p1 =	por $0x0, $0x0;
	s1 =	sshll.u32 s1, $0x2  }
0xc3: {  	p2 =	por $0x0, $0x0;
	s11 =	sshrl.u32 s1, $0x2;
	s0 =	sadd.s32 $0xFFFFFFFF, s31  }
0xc4: {  	_ =	sdelay $0x3  }
0xc5: {  	v7 =	vld.idx.msk [tilespmem:v0+s18+$0x60 ss:$0x1], $0xffff  }
0xc6: {  	v6 =	vld.idx.msk [tilespmem:v0+s18+$0x0 ss:$0x1], $0xffff;
	p3 =	sne.s32 s0, $0x1  }
.Ltmp9:
0xc7: {  	v5 =	vld.idx.msk [tilespmem:v0+s18+$0x10 ss:$0x1], $0xffff;
	(pc) =	sbr.rel @!p3 .LBB1_9-.Ltmp9, $4  }
0xc8: {  	v4 =	vld.idx.msk [tilespmem:v0+s18+$0x20 ss:$0x1], $0xffff  }
0xc9: {  	v1 =	vld.idx.msk [tilespmem:v0+s18+$0x30 ss:$0x1], $0xffff  }
0xca: {  	s1 =	simm.s32 $0x80;
	v2 =	vld.idx.msk [tilespmem:v0+s18+$0x40 ss:$0x1], $0xffff;
	s10 =	sadd.s32 s11, s16;
	s9 =	sadd.s32 $0xFFFFFFFF, s0  }
0xcb: {  	v3 =	vld.idx.msk [tilespmem:v0+s18+$0x50 ss:$0x1], $0xffff;
	p1 =	por $0x1, $0x1;
	s19 =	sand.u32 $0x380, s1;
	s1 =	sadd.s32 s11, s15;
	[tilespmem:s10+$0x0 ss:$0x81] =	vst.msk $0xffff, v7  }
0xcc: {  	_ =	sdelay $0x3  }
0xcd: {  	v7 =	vld.idx.msk [tilespmem:v0+s19+$0x60 ss:$0x1], $0xffff;
	[tilespmem:s1+$0x0 ss:$0x81] =	vst.msk $0xffff, v6;
	s0 =	sadd.s32 s11, s14;
	s20 =	sadd.s32 s11, s29  }
0xce: {  	v6 =	vld.idx.msk [tilespmem:v0+s19+$0x0 ss:$0x1], $0xffff;
	s23 =	sadd.s32 s11, s2;
	p3 =	sne.s32 s9, $0x1;
	s24 =	sadd.s32 s11, s27;
	[tilespmem:s0+$0x0 ss:$0x81] =	vst.msk $0xffff, v5  }
.Ltmp10:
0xcf: {  	s26 =	sadd.s32 s11, s17;
	s28 =	sadd.s32 $0x81, s16;
	v5 =	vld.idx.msk [tilespmem:v0+s19+$0x10 ss:$0x1], $0xffff;
	[tilespmem:s20+$0x0 ss:$0x81] =	vst.msk $0xffff, v4;
	(pc) =	sbr.rel @!p3 .LBB1_11-.Ltmp10, $4  }
0xd0: {  	s10 =	sadd.s32 $0x81, s14;
	s9 =	sadd.s32 $0xFFFFFFFF, s9;
	p2 =	por $0x1, $0x1;
	v4 =	vld.idx.msk [tilespmem:v0+s19+$0x20 ss:$0x1], $0xffff;
	[tilespmem:s23+$0x0 ss:$0x81] =	vst.msk $0xffff, v1  }
0xd1: {  	s0 =	simm.s32 $0x100;
	s20 =	sadd.s32 $0x81, s15;
	v1 =	vld.idx.msk [tilespmem:v0+s19+$0x30 ss:$0x1], $0xffff;
	s23 =	sadd.s32 s11, s28;
	[tilespmem:s24+$0x0 ss:$0x81] =	vst.msk $0xffff, v2  }
0xd2: {  	s18 =	sand.u32 $0x380, s0;
	s1 =	sadd.s32 s11, s20;
	v2 =	vld.idx.msk [tilespmem:v0+s19+$0x40 ss:$0x1], $0xffff;
	s24 =	smov.u32 s2;
	[tilespmem:s26+$0x0 ss:$0x81] =	vst.msk $0xffff, v3  }
0xd3: {  	v3 =	vld.idx.msk [tilespmem:v0+s19+$0x50 ss:$0x1], $0xffff;
	s19 =	smov.u32 s29;
	s26 =	smov.u32 s17;
	[tilespmem:s23+$0x0 ss:$0x81] =	vst.msk $0xffff, v7;
	s23 =	smov.u32 s27  }
.LBB1_12:
0xd4: {  	p3 =	sne.s32 s9, $0x1;
	v7 =	vld.idx.msk [tilespmem:v0+s18+$0x60 ss:$0x1], $0xffff;
	[tilespmem:s1+$0x0 ss:$0x81] =	vst.msk $0xffff, v6;
	s1 =	sadd.s32 s11, s10;
	s19 =	sadd.s32 $0x81, s19  }
0xd5: {  	s24 =	sadd.s32 $0x81, s24;
	v6 =	vld.idx.msk [tilespmem:v0+s18+$0x0 ss:$0x1], $0xffff;
	[tilespmem:s1+$0x0 ss:$0x81] =	vst.msk $0xffff, v5;
	s1 =	sadd.s32 s11, s19  }
.Ltmp11:
0xd6: {  	s23 =	sadd.s32 $0x81, s23;
	v5 =	vld.idx.msk [tilespmem:v0+s18+$0x10 ss:$0x1], $0xffff;
	[tilespmem:s1+$0x0 ss:$0x81] =	vst.msk $0xffff, v4;
	s1 =	sadd.s32 s11, s24;
	(pc) =	sbr.rel @p3 .LBB1_12-.Ltmp11, $4  }
0xd7: {  	s26 =	sadd.s32 $0x81, s26;
	v4 =	vld.idx.msk [tilespmem:v0+s18+$0x20 ss:$0x1], $0xffff;
	[tilespmem:s1+$0x0 ss:$0x81] =	vst.msk $0xffff, v1;
	s1 =	sadd.s32 s11, s23  }
0xd8: {  	s28 =	sadd.s32 $0x81, s28;
	s10 =	sadd.s32 $0x81, s10;
	v1 =	vld.idx.msk [tilespmem:v0+s18+$0x30 ss:$0x1], $0xffff;
	[tilespmem:s1+$0x0 ss:$0x81] =	vst.msk $0xffff, v2;
	s1 =	sadd.s32 s11, s26  }
0xd9: {  	s0 =	sadd.s32 $0x80, s0;
	s20 =	sadd.s32 $0x81, s20;
	s4 =	sadd.s32 s11, s28;
	v2 =	vld.idx.msk [tilespmem:v0+s18+$0x40 ss:$0x1], $0xffff;
	[tilespmem:s1+$0x0 ss:$0x81] =	vst.msk $0xffff, v3  }
0xda: {  	s9 =	sadd.s32 $0xFFFFFFFF, s9;
	s1 =	sadd.s32 s11, s20;
	v3 =	vld.idx.msk [tilespmem:v0+s18+$0x50 ss:$0x1], $0xffff;
	s18 =	sand.u32 $0x380, s0;
	[tilespmem:s4+$0x0 ss:$0x81] =	vst.msk $0xffff, v7  }
.LBB1_13:
0xdb: {  	s0 =	sadd.s32 @p2 $0x81, s19;
	s4 =	smov.u32 s29  }
0xdc: {  	[tilespmem:s1+$0x0 ss:$0x81] =	vst.msk @p1 $0xffff, v6;
	s1 =	sadd.s32 @p1 s11, s10;
	s9 =	smov.u32 s2;
	s19 =	smov.u32 s27  }
0xdd: {  	s10 =	sadd.s32 @p1 $0x81, s10;
	s12 =	sadd.s32 $0x1, s12;
	s4 =	smov.u32 @p2 s0  }
0xde: {  	s0 =	sadd.s32 @p2 $0x81, s24;
	[tilespmem:s1+$0x0 ss:$0x81] =	vst.msk @p1 $0xffff, v5;
	s24 =	smov.u32 s16;
	s1 =	sadd.s32 @p1 s11, s4  }
0xdf: {  	s9 =	smov.u32 @p2 s0;
	s0 =	sadd.s32 @p2 $0x81, s23;
	s23 =	smov.u32 s17  }
0xe0: {  	s4 =	sadd.s32 @p1 $0x81, s4;
	s19 =	smov.u32 @p2 s0;
	s0 =	sadd.s32 @p2 $0x81, s26  }
0xe1: {  	[tilespmem:s1+$0x0 ss:$0x81] =	vst.msk @p1 $0xffff, v4;
	s1 =	sadd.s32 @p1 s11, s9;
	s23 =	smov.u32 @p2 s0;
	s0 =	sadd.s32 @p1 $0x81, s28  }
0xe2: {  	v57 =	vld.idx.msk [tilespmem:v0+s18+$0x60 ss:$0x1], $0xffff;
	s24 =	smov.u32 @p1 s0;
	s0 =	sadd.s32 @p1 $0x81, s20;
	s20 =	smov.u32 s15  }
0xe3: {  	[tilespmem:s1+$0x0 ss:$0x81] =	vst.msk @p1 $0xffff, v1;
	s1 =	sadd.s32 @p1 s11, s19;
	s20 =	smov.u32 @p1 s0;
	s0 =	smov.u32 s14  }
0xe4: {  	v58 =	vld.idx.msk [tilespmem:v0+s18+$0x0 ss:$0x1], $0xffff;
	[tilespmem:s1+$0x0 ss:$0x81] =	vst.msk @p1 $0xffff, v2;
	s1 =	sadd.s32 @p1 s11, s23;
	s0 =	smov.u32 @p1 s10;
	s10 =	smov.u32 s29  }
0xe5: {  	v59 =	vld.idx.msk [tilespmem:v0+s18+$0x10 ss:$0x1], $0xffff;
	[tilespmem:s1+$0x0 ss:$0x81] =	vst.msk @p1 $0xffff, v3;
	s1 =	sadd.s32 @p1 $0x81, s9;
	s10 =	smov.u32 @p1 s4;
	s4 =	smov.u32 s2  }
0xe6: {  	v60 =	vld.idx.msk [tilespmem:v0+s18+$0x20 ss:$0x1], $0xffff;
	s24 =	sadd.s32 s11, s24;
	s9 =	smov.u32 s27;
	s4 =	smov.u32 @p1 s1  }
0xe7: {  	v61 =	vld.idx.msk [tilespmem:v0+s18+$0x30 ss:$0x1], $0xffff;
	s28 =	sadd.s32 s11, s20;
	[tilespmem:s24+$0x0 ss:$0x81] =	vst.msk $0xffff, v57;
	s1 =	sadd.s32 @p1 $0x81, s19;
	s24 =	sadd.s32 s11, s4  }
0xe8: {  	v62 =	vld.idx.msk [tilespmem:v0+s18+$0x40 ss:$0x1], $0xffff;
	s9 =	smov.u32 @p1 s1;
	s1 =	sadd.s32 @p1 $0x81, s23;
	s4 =	smov.u32 s17  }
0xe9: {  	v63 =	vld.idx.msk [tilespmem:v0+s18+$0x50 ss:$0x1], $0xffff;
	[tilespmem:s28+$0x0 ss:$0x81] =	vst.msk $0xffff, v58;
	s0 =	sadd.s32 s11, s0;
	s4 =	smov.u32 @p1 s1;
	p1 =	sne.s32 s12, s30  }
.Ltmp12:
0xea: {  	[tilespmem:s0+$0x0 ss:$0x81] =	vst.msk $0xffff, v59;
	s20 =	sadd.s32 s11, s10;
	(pc) =	sbr.rel @p1 .LBB1_6-.Ltmp12, $4  }
.Ltmp13:
0xeb: {  	[tilespmem:s20+$0x0 ss:$0x81] =	vst.msk $0xffff, v60;
	(pc) =	sbr.rel @!p1 .LBB1_14-.Ltmp13, $4  }
0xec: {  	[tilespmem:s24+$0x0 ss:$0x81] =	vst.msk $0xffff, v61;
	s26 =	sadd.s32 s11, s9  }
0xed: {  	[tilespmem:s26+$0x0 ss:$0x81] =	vst.msk $0xffff, v62;
	s28 =	sadd.s32 s11, s4  }
0xee: {  	s22 =	sadd.s32 $0x1, s22;
	[tilespmem:s28+$0x0 ss:$0x81] =	vst.msk $0xffff, v63  }
0xef: {  	_ = 	snop  }
.LBB1_7:
.Ltmp14:
0xf0: {  	(pc) =	sbr.rel .LBB1_13-.Ltmp14, $4  }
0xf1: {  	_ = 	snop  }
0xf2: {  	s10 =	smov.u32 s14  }
0xf3: {  	s19 =	smov.u32 s29;
	s24 =	smov.u32 s2;
	s23 =	smov.u32 s27  }
0xf4: {  	s26 =	smov.u32 s17;
	s28 =	smov.u32 s16;
	s20 =	smov.u32 s15  }
.LBB1_9:
.Ltmp15:
0xf5: {  	(pc) =	sbr.rel .LBB1_13-.Ltmp15, $4  }
0xf6: {  	_ = 	snop  }
0xf7: {  	s18 =	smov.u32 s19;
	s10 =	smov.u32 s14  }
0xf8: {  	s19 =	smov.u32 s29;
	s24 =	smov.u32 s2;
	s23 =	smov.u32 s27  }
0xf9: {  	s26 =	smov.u32 s17;
	s28 =	smov.u32 s16;
	s20 =	smov.u32 s15  }
.LBB1_11:
.Ltmp16:
0xfa: {  	(pc) =	sbr.rel .LBB1_13-.Ltmp16, $3  }
0xfb: {  	_ =	sdelay $0x1  }
0xfc: {  	s19 =	smov.u32 s29  }
0xfd: {  	s24 =	smov.u32 s2;
	s23 =	smov.u32 s27;
	s26 =	smov.u32 s17  }
.LBB1_18:
0xfe: {  	_ =	sfence.sel $0x180000  }
0xff: {  	s0 =	simm.s32 $0x1;
	[bflag:$0x0] =	sbarrier.arrive $0xFFFF  }
0x100: {  	s30 =	simm.s32 $0x2;
	[sflag:s0] =	ssyncpa.u1 $0x1  }
0x101: {  	[sflag:s30] =	ssyncpa.u1 $0x1  }
0x102: {  	_ =	strace $0x90000047  }
0x103: {  	s31 =	stileid.u32;
	[bflag:$0x2] =	sbarrier.arrive $0xFFFF  }
0x104: {  	p0 =	sne.s32 s31, $0x0;
	s0 =	rddreg [dreg:$0x1]  }
0x105: {  	s0 =	sadd.s32 @!p0 $0x100000, s0  }
0x106: {  	[sflag:s0] =	ssyncadd.tile.s32 @!p0 $0x1;
	_ =	shalt  }
.Lfunc_end1:
_tile_overlayer_lowered:
.L_overlay_start_2:
0x107: {  	(tag) =	ssettag $0x2  }
0x108: {  	s0 =	rddreg [dreg:$0x0];
	s2 =	stileid.u32  }
0x109: {  	s1 =	rddreg [dreg:$0x1];
	p0 =	sne.s32 s2, $0x0  }
0x10a: {  	s3 =	rddreg [dreg:$0x2];
	[bflag:$0x3] =	sbarrier.arrive $0xFFFF;
	s2 =	simm.s32 @!p0 $0x1C01  }
0x10b: {  	[timem:s3], [sflag:s2] =	dma.local @!p0 [hbm:s0], s1  }
0x10c: {  	s0 =	simm.s32 @!p0 $0x1  }
0x10d: {  	_ =	swait.ge @!p0 [sflag:s0], s1  }
0x10e: {  	s1 =	ssub.s32 @!p0 $0x0, s1;
	[sflag:s0] =	ssyncset.done @!p0 $0x0  }
0x10f: {  	[sflag:s0] =	ssyncadd.s32 @!p0 s1  }
0x110: {  	[bflag:$0x3] =	sbarrier.arrive $0xFFFF  }
0x111: {  	_ =	shalt  }

</sc_bundles>
